<compile_context>
chip_gen: v7x
topology: tpu7x:2x2x1
jax: 0.10.2.dev20260603
libtpu: 0.0.44.dev20260713+nightly
codegen_flags: <defaults>
</compile_context>

<pallas_src>
import jax
import jax.numpy as jnp
from jax import lax
from jax.experimental import pallas as pl
from jax.experimental.pallas import tpu as pltpu
from jax.experimental.pallas import tpu_sc as plsc

N_NODES = 100000
N_EDGES = 6400000
W = 8
BLK = 128
NBLK = N_EDGES // BLK
NW = 32
CHUNK_BLKS = 16
CHUNK_E = CHUNK_BLKS * BLK
FULL_CHUNKS = (NBLK // NW) // CHUNK_BLKS
MAIN_BLKS = FULL_CHUNKS * CHUNK_BLKS
UNITS = NBLK // 8
N_ACC = 100352
RPT = N_ACC // 16
ZB_ROWS = 784
ZB_COPIES = RPT // ZB_ROWS


def _sc_body(fst_hbm, ev_hbm, idx_hbm, out_hbm,
             idx_v, fst_v, ev_v, val_v, zb_v, acc):
    cid = lax.axis_index("c")
    sid = lax.axis_index("s")
    wid = sid * 2 + cid

    lanes = lax.iota(jnp.int32, 16)
    lanes3 = lanes * 3
    zero16 = jnp.zeros((16,), jnp.float32)

    for c in range(W):
        colc = jnp.full((16,), c, jnp.int32)

        @pl.loop(0, ZB_ROWS // 16)
        def _(i):
            plsc.store_scatter(zb_v, [lanes + i * 16, colc], zero16)

    @pl.loop(0, ZB_COPIES)
    def _(q):
        pltpu.sync_copy(zb_v, acc.at[pl.ds(sid * RPT + q * ZB_ROWS, ZB_ROWS)])
    plsc.subcore_barrier()

    def process_block(k):
        base128 = k * BLK
        for i in range(8):
            base = base128 + i * 16
            f = fst_v[pl.ds(base, 16)]
            rows = lanes + base
            for c in range(3):
                ev_c = ev_v[pl.ds(c * CHUNK_E + base, 16)]
                plsc.store_scatter(
                    val_v, [rows, jnp.full((16,), c, jnp.int32)], f * ev_c)
        pltpu.sync_copy(val_v.at[pl.ds(base128, BLK)],
                        acc.at[idx_v.at[k]], add=True)

    for c in range(3, W):
        colc = jnp.full((16,), c, jnp.int32)

        @pl.loop(0, CHUNK_E // 16)
        def _(i):
            plsc.store_scatter(val_v, [lanes + i * 16, colc], zero16)

    b0 = 8 * ((wid * UNITS) // NW)
    b1 = 8 * (((wid + 1) * UNITS) // NW)

    def stage(blk, e0):
        pltpu.sync_copy(idx_hbm.at[pl.ds(blk, CHUNK_BLKS)], idx_v)
        pltpu.sync_copy(fst_hbm.at[pl.ds(e0, CHUNK_E)], fst_v)
        for c in range(3):
            pltpu.sync_copy(ev_hbm.at[pl.ds(c * N_EDGES + e0, CHUNK_E)],
                            ev_v.at[pl.ds(c * CHUNK_E, CHUNK_E)])

    @pl.loop(0, FULL_CHUNKS)
    def _(ct):
        blk = b0 + ct * CHUNK_BLKS
        stage(blk, blk * BLK)

        @pl.loop(0, CHUNK_BLKS)
        def _(k):
            process_block(k)

    rs = b1 - CHUNK_BLKS
    skip = CHUNK_BLKS - (b1 - b0 - MAIN_BLKS)
    stage(rs, rs * BLK)

    @pl.loop(skip, CHUNK_BLKS)
    def _(k):
        process_block(k)

    plsc.subcore_barrier()
    pltpu.sync_copy(acc.at[pl.ds(sid * RPT, RPT)],
                    out_hbm.at[pl.ds(cid * N_ACC + sid * RPT, RPT)])


@jax.jit
def _sc_segment_sum(fst, ev, idx2d):
    mesh = plsc.VectorSubcoreMesh(
        core_axis_name="c", subcore_axis_name="s", num_cores=2,
        num_subcores=16)
    return pl.kernel(
        _sc_body,
        out_type=jax.ShapeDtypeStruct((2 * N_ACC, W), jnp.float32),
        mesh=mesh,
        compiler_params=pltpu.CompilerParams(
            needs_layout_passes=False, use_tc_tiling_on_sc=False,
            skip_device_barrier=True),
        scratch_types=[
            pltpu.VMEM((CHUNK_BLKS, BLK), jnp.int32),
            pltpu.VMEM((CHUNK_E,), jnp.float32),
            pltpu.VMEM((CHUNK_E * 3,), jnp.float32),
            pltpu.VMEM((CHUNK_E, W), jnp.float32),
            pltpu.VMEM((ZB_ROWS, W), jnp.float32),
            pltpu.VMEM_SHARED((N_ACC, W), jnp.float32),
        ],
    )(fst, ev, idx2d)


def kernel(F_st, edge_vec, edge_idx, atomic_numbers):
    del atomic_numbers
    fst = jnp.reshape(F_st, (N_EDGES,))
    ev = jnp.reshape(jnp.transpose(edge_vec), (N_EDGES * 3,))
    idx2d = jnp.reshape(edge_idx.astype(jnp.int32), (NBLK, BLK))
    partials = _sc_segment_sum(fst, ev, idx2d)
    partials = jnp.reshape(partials, (2, N_ACC, W))
    return partials[0, :N_NODES, :3] + partials[1, :N_NODES, :3]

# --- scband reference (transcript-rebuilt; emitter-appended) ---
"""Pipeline reference for scband-gem-net-tforce-head-15281493639528 (READ-ONLY COPY).

The authoritative reference and input builder live on the scoring server;
editing this copy changes nothing except your own understanding.
"""

import jax, jax.numpy as jnp
import numpy as np

N = 100000
E = 6400000

def setup_inputs(seed: int = 0) -> dict:
    key = jax.random.key(seed)
    k1, k2, k3, k4 = jax.random.split(key, 4)
    F_st = jax.random.normal(k1, (E, 1), dtype=jnp.float32)
    edge_vec = jax.random.normal(k2, (E, 3), dtype=jnp.float32)
    edge_idx = jax.random.randint(k3, (E,), 0, N, dtype=jnp.int64) if jax.config.jax_enable_x64 else jax.random.randint(k3, (E,), 0, N).astype(jnp.int32)
    atomic_numbers = jax.random.randint(k4, (N,), 0, 90).astype(jnp.int32)
    return {"F_st": F_st, "edge_vec": edge_vec, "edge_idx": edge_idx, "atomic_numbers": atomic_numbers}

def reference(F_st, edge_vec, edge_idx, atomic_numbers):
    # F_st: [E, 1], edge_vec: [E, 3]
    F_st_vec = F_st[:, :, None] * edge_vec[:, None, :]  # [E, 1, 3]
    n = atomic_numbers.shape[0]
    # scatter-add over edges to destination atoms
    F_t = jax.ops.segment_sum(F_st_vec, edge_idx, num_segments=n)  # [N, 1, 3]
    return jnp.squeeze(F_t, axis=1)  # [N, 3]

if __name__ == "__main__":
    import jax
    _d = setup_inputs()
    print(jax.jit(kernel)(*tuple(_d.values())))

</pallas_src>

<mosaic_0001>
#map = affine_map<(d0, d1) -> (0)>
#map1 = affine_map<(d0, d1) -> (0, 0)>
module attributes {stable_mosaic.version = 14 : i64} {
  func.func @_sc_body(%arg0: i32, %arg1: i32, %arg2: memref<6400000xf32, #tpu.memory_space<hbm>>, %arg3: memref<19200000xf32, #tpu.memory_space<hbm>>, %arg4: memref<50000x128xi32, #tpu.memory_space<hbm>>, %arg5: memref<200704x8xf32, #tpu.memory_space<hbm>>, %arg6: memref<16x128xi32, #tpu.memory_space<vmem>>, %arg7: memref<2048xf32, #tpu.memory_space<vmem>>, %arg8: memref<6144xf32, #tpu.memory_space<vmem>>, %arg9: memref<2048x8xf32, #tpu.memory_space<vmem>>, %arg10: memref<784x8xf32, #tpu.memory_space<vmem>>, %arg11: memref<100352x8xf32, #tpu.memory_space<vmem_shared>>) attributes {dimension_semantics = [#tpu.dimension_semantics<core_parallel>, #tpu.dimension_semantics<subcore_parallel>], iteration_bounds = array<i64: 2, 16>, scalar_prefetch = 0 : i64, scratch_operands = 6 : i64, tpu.core_type = #tpu.core_type<sc_vector_subcore>, window_params = [{transform_indices = #map}, {transform_indices = #map}, {transform_indices = #map1}, {transform_indices = #map1}]} {
    %mul3A = arith.constant 2 : i32
    %mul3A_0 = arith.muli %arg1, %mul3A : i32
    %add3A = arith.addi %mul3A_0, %arg0 : i32
    %iota3A = tpu.iota {dimensions = array<i32: 0>} : vector<16xi32>
    %mul3A_1 = arith.constant 3 : i32
    %mul3A_2 = vector.broadcast %mul3A_1 : i32 to vector<16xi32>
    %mul3A_3 = arith.muli %iota3A, %mul3A_2 : vector<16xi32>
    %broadcast_in_dim3A = arith.constant 0.000000e+00 : f32
    %broadcast_in_dim3A_4 = vector.broadcast %broadcast_in_dim3A : f32 to vector<16xf32>
    %broadcast_in_dim3A_5 = arith.constant 0 : i32
    %broadcast_in_dim3A_6 = vector.broadcast %broadcast_in_dim3A_5 : i32 to vector<16xi32>
    %scan3A = arith.constant 0 : i32
    %scan3A_7 = arith.constant 49 : i32
    %scan3A_8 = arith.addi %scan3A, %scan3A_7 : i32
    %scan3A_9 = arith.constant 1 : i32
    scf.for %scan3A_195 = %scan3A to %scan3A_8 step %scan3A_9  : i32 {
      %mul3A_196 = arith.constant 1 : i32
      %mul3A_197 = arith.muli %scan3A_195, %mul3A_196 : i32
      %add3A_198 = arith.constant 0 : i32
      %add3A_199 = arith.addi %add3A_198, %mul3A_197 : i32
      %mul3A_200 = arith.constant 16 : i32
      %mul3A_201 = arith.muli %add3A_199, %mul3A_200 : i32
      %add3A_202 = vector.broadcast %mul3A_201 : i32 to vector<16xi32>
      %add3A_203 = arith.addi %iota3A, %add3A_202 : vector<16xi32>
      tpu.vector_store_idx %arg10[%add3A_203, %broadcast_in_dim3A_6], %broadcast_in_dim3A_4 : memref<784x8xf32, #tpu.memory_space<vmem>>[vector<16xi32>, vector<16xi32>], vector<16xf32>,
    }
    %scan3A_10 = arith.constant 49 : i32
    %broadcast_in_dim3A_11 = arith.constant 1 : i32
    %broadcast_in_dim3A_12 = vector.broadcast %broadcast_in_dim3A_11 : i32 to vector<16xi32>
    %scan3A_13 = arith.constant 0 : i32
    %scan3A_14 = arith.constant 49 : i32
    %scan3A_15 = arith.addi %scan3A_13, %scan3A_14 : i32
    %scan3A_16 = arith.constant 1 : i32
    scf.for %scan3A_195 = %scan3A_13 to %scan3A_15 step %scan3A_16  : i32 {
      %mul3A_196 = arith.constant 1 : i32
      %mul3A_197 = arith.muli %scan3A_195, %mul3A_196 : i32
      %add3A_198 = arith.constant 0 : i32
      %add3A_199 = arith.addi %add3A_198, %mul3A_197 : i32
      %mul3A_200 = arith.constant 16 : i32
      %mul3A_201 = arith.muli %add3A_199, %mul3A_200 : i32
      %add3A_202 = vector.broadcast %mul3A_201 : i32 to vector<16xi32>
      %add3A_203 = arith.addi %iota3A, %add3A_202 : vector<16xi32>
      tpu.vector_store_idx %arg10[%add3A_203, %broadcast_in_dim3A_12], %broadcast_in_dim3A_4 : memref<784x8xf32, #tpu.memory_space<vmem>>[vector<16xi32>, vector<16xi32>], vector<16xf32>,
    }
    %scan3A_17 = arith.constant 49 : i32
    %broadcast_in_dim3A_18 = arith.constant 2 : i32
    %broadcast_in_dim3A_19 = vector.broadcast %broadcast_in_dim3A_18 : i32 to vector<16xi32>
    %scan3A_20 = arith.constant 0 : i32
    %scan3A_21 = arith.constant 49 : i32
    %scan3A_22 = arith.addi %scan3A_20, %scan3A_21 : i32
    %scan3A_23 = arith.constant 1 : i32
    scf.for %scan3A_195 = %scan3A_20 to %scan3A_22 step %scan3A_23  : i32 {
      %mul3A_196 = arith.constant 1 : i32
      %mul3A_197 = arith.muli %scan3A_195, %mul3A_196 : i32
      %add3A_198 = arith.constant 0 : i32
      %add3A_199 = arith.addi %add3A_198, %mul3A_197 : i32
      %mul3A_200 = arith.constant 16 : i32
      %mul3A_201 = arith.muli %add3A_199, %mul3A_200 : i32
      %add3A_202 = vector.broadcast %mul3A_201 : i32 to vector<16xi32>
      %add3A_203 = arith.addi %iota3A, %add3A_202 : vector<16xi32>
      tpu.vector_store_idx %arg10[%add3A_203, %broadcast_in_dim3A_19], %broadcast_in_dim3A_4 : memref<784x8xf32, #tpu.memory_space<vmem>>[vector<16xi32>, vector<16xi32>], vector<16xf32>,
    }
    %scan3A_24 = arith.constant 49 : i32
    %broadcast_in_dim3A_25 = arith.constant 3 : i32
    %broadcast_in_dim3A_26 = vector.broadcast %broadcast_in_dim3A_25 : i32 to vector<16xi32>
    %scan3A_27 = arith.constant 0 : i32
    %scan3A_28 = arith.constant 49 : i32
    %scan3A_29 = arith.addi %scan3A_27, %scan3A_28 : i32
    %scan3A_30 = arith.constant 1 : i32
    scf.for %scan3A_195 = %scan3A_27 to %scan3A_29 step %scan3A_30  : i32 {
      %mul3A_196 = arith.constant 1 : i32
      %mul3A_197 = arith.muli %scan3A_195, %mul3A_196 : i32
      %add3A_198 = arith.constant 0 : i32
      %add3A_199 = arith.addi %add3A_198, %mul3A_197 : i32
      %mul3A_200 = arith.constant 16 : i32
      %mul3A_201 = arith.muli %add3A_199, %mul3A_200 : i32
      %add3A_202 = vector.broadcast %mul3A_201 : i32 to vector<16xi32>
      %add3A_203 = arith.addi %iota3A, %add3A_202 : vector<16xi32>
      tpu.vector_store_idx %arg10[%add3A_203, %broadcast_in_dim3A_26], %broadcast_in_dim3A_4 : memref<784x8xf32, #tpu.memory_space<vmem>>[vector<16xi32>, vector<16xi32>], vector<16xf32>,
    }
    %scan3A_31 = arith.constant 49 : i32
    %broadcast_in_dim3A_32 = arith.constant 4 : i32
    %broadcast_in_dim3A_33 = vector.broadcast %broadcast_in_dim3A_32 : i32 to vector<16xi32>
    %scan3A_34 = arith.constant 0 : i32
    %scan3A_35 = arith.constant 49 : i32
    %scan3A_36 = arith.addi %scan3A_34, %scan3A_35 : i32
    %scan3A_37 = arith.constant 1 : i32
    scf.for %scan3A_195 = %scan3A_34 to %scan3A_36 step %scan3A_37  : i32 {
      %mul3A_196 = arith.constant 1 : i32
      %mul3A_197 = arith.muli %scan3A_195, %mul3A_196 : i32
      %add3A_198 = arith.constant 0 : i32
      %add3A_199 = arith.addi %add3A_198, %mul3A_197 : i32
      %mul3A_200 = arith.constant 16 : i32
      %mul3A_201 = arith.muli %add3A_199, %mul3A_200 : i32
      %add3A_202 = vector.broadcast %mul3A_201 : i32 to vector<16xi32>
      %add3A_203 = arith.addi %iota3A, %add3A_202 : vector<16xi32>
      tpu.vector_store_idx %arg10[%add3A_203, %broadcast_in_dim3A_33], %broadcast_in_dim3A_4 : memref<784x8xf32, #tpu.memory_space<vmem>>[vector<16xi32>, vector<16xi32>], vector<16xf32>,
    }
    %scan3A_38 = arith.constant 49 : i32
    %broadcast_in_dim3A_39 = arith.constant 5 : i32
    %broadcast_in_dim3A_40 = vector.broadcast %broadcast_in_dim3A_39 : i32 to vector<16xi32>
    %scan3A_41 = arith.constant 0 : i32
    %scan3A_42 = arith.constant 49 : i32
    %scan3A_43 = arith.addi %scan3A_41, %scan3A_42 : i32
    %scan3A_44 = arith.constant 1 : i32
    scf.for %scan3A_195 = %scan3A_41 to %scan3A_43 step %scan3A_44  : i32 {
      %mul3A_196 = arith.constant 1 : i32
      %mul3A_197 = arith.muli %scan3A_195, %mul3A_196 : i32
      %add3A_198 = arith.constant 0 : i32
      %add3A_199 = arith.addi %add3A_198, %mul3A_197 : i32
      %mul3A_200 = arith.constant 16 : i32
      %mul3A_201 = arith.muli %add3A_199, %mul3A_200 : i32
      %add3A_202 = vector.broadcast %mul3A_201 : i32 to vector<16xi32>
      %add3A_203 = arith.addi %iota3A, %add3A_202 : vector<16xi32>
      tpu.vector_store_idx %arg10[%add3A_203, %broadcast_in_dim3A_40], %broadcast_in_dim3A_4 : memref<784x8xf32, #tpu.memory_space<vmem>>[vector<16xi32>, vector<16xi32>], vector<16xf32>,
    }
    %scan3A_45 = arith.constant 49 : i32
    %broadcast_in_dim3A_46 = arith.constant 6 : i32
    %broadcast_in_dim3A_47 = vector.broadcast %broadcast_in_dim3A_46 : i32 to vector<16xi32>
    %scan3A_48 = arith.constant 0 : i32
    %scan3A_49 = arith.constant 49 : i32
    %scan3A_50 = arith.addi %scan3A_48, %scan3A_49 : i32
    %scan3A_51 = arith.constant 1 : i32
    scf.for %scan3A_195 = %scan3A_48 to %scan3A_50 step %scan3A_51  : i32 {
      %mul3A_196 = arith.constant 1 : i32
      %mul3A_197 = arith.muli %scan3A_195, %mul3A_196 : i32
      %add3A_198 = arith.constant 0 : i32
      %add3A_199 = arith.addi %add3A_198, %mul3A_197 : i32
      %mul3A_200 = arith.constant 16 : i32
      %mul3A_201 = arith.muli %add3A_199, %mul3A_200 : i32
      %add3A_202 = vector.broadcast %mul3A_201 : i32 to vector<16xi32>
      %add3A_203 = arith.addi %iota3A, %add3A_202 : vector<16xi32>
      tpu.vector_store_idx %arg10[%add3A_203, %broadcast_in_dim3A_47], %broadcast_in_dim3A_4 : memref<784x8xf32, #tpu.memory_space<vmem>>[vector<16xi32>, vector<16xi32>], vector<16xf32>,
    }
    %scan3A_52 = arith.constant 49 : i32
    %broadcast_in_dim3A_53 = arith.constant 7 : i32
    %broadcast_in_dim3A_54 = vector.broadcast %broadcast_in_dim3A_53 : i32 to vector<16xi32>
    %scan3A_55 = arith.constant 0 : i32
    %scan3A_56 = arith.constant 49 : i32
    %scan3A_57 = arith.addi %scan3A_55, %scan3A_56 : i32
    %scan3A_58 = arith.constant 1 : i32
    scf.for %scan3A_195 = %scan3A_55 to %scan3A_57 step %scan3A_58  : i32 {
      %mul3A_196 = arith.constant 1 : i32
      %mul3A_197 = arith.muli %scan3A_195, %mul3A_196 : i32
      %add3A_198 = arith.constant 0 : i32
      %add3A_199 = arith.addi %add3A_198, %mul3A_197 : i32
      %mul3A_200 = arith.constant 16 : i32
      %mul3A_201 = arith.muli %add3A_199, %mul3A_200 : i32
      %add3A_202 = vector.broadcast %mul3A_201 : i32 to vector<16xi32>
      %add3A_203 = arith.addi %iota3A, %add3A_202 : vector<16xi32>
      tpu.vector_store_idx %arg10[%add3A_203, %broadcast_in_dim3A_54], %broadcast_in_dim3A_4 : memref<784x8xf32, #tpu.memory_space<vmem>>[vector<16xi32>, vector<16xi32>], vector<16xf32>,
    }
    %scan3A_59 = arith.constant 49 : i32
    %scan3A_60 = arith.constant 0 : i32
    %scan3A_61 = arith.constant 8 : i32
    %scan3A_62 = arith.addi %scan3A_60, %scan3A_61 : i32
    %scan3A_63 = arith.constant 1 : i32
    scf.for %scan3A_195 = %scan3A_60 to %scan3A_62 step %scan3A_63  : i32 {
      %mul3A_196 = arith.constant 1 : i32
      %mul3A_197 = arith.muli %scan3A_195, %mul3A_196 : i32
      %add3A_198 = arith.constant 0 : i32
      %add3A_199 = arith.addi %add3A_198, %mul3A_197 : i32
      %mul3A_200 = arith.constant 6272 : i32
      %mul3A_201 = arith.muli %arg1, %mul3A_200 : i32
      %mul3A_202 = arith.constant 784 : i32
      %mul3A_203 = arith.muli %add3A_199, %mul3A_202 : i32
      %add3A_204 = arith.addi %mul3A_201, %mul3A_203 : i32
      "tpu.region"() ({
        %run_scoped3A = tpu.sem_alloc : memref<!tpu.dma_semaphore, #tpu.memory_space<semaphore_mem>>
        %dma_start3A = arith.constant 0 : i32
        %dma_start3A_205 = tpu.memref_slice %arg11[%add3A_204, %dma_start3A] : memref<100352x8xf32, #tpu.memory_space<vmem_shared>> -> memref<784x8xf32, #tpu.memory_space<vmem_shared>>
        %dma_start3A_206 = arith.constant 0 : i32
        %dma_start3A_207 = tpu.memref_slice %arg11[%add3A_204, %dma_start3A_206] : memref<100352x8xf32, #tpu.memory_space<vmem_shared>> -> memref<784x8xf32, #tpu.memory_space<vmem_shared>>
        tpu.enqueue_dma source(%arg10 : memref<784x8xf32, #tpu.memory_space<vmem>>) target(%dma_start3A_207 : memref<784x8xf32, #tpu.memory_space<vmem_shared>>) target_semaphore(%run_scoped3A : memref<!tpu.dma_semaphore, #tpu.memory_space<semaphore_mem>>)
        %dma_wait3A = arith.constant 0 : i32
        %dma_wait3A_208 = tpu.memref_slice %arg11[%add3A_204, %dma_wait3A] : memref<100352x8xf32, #tpu.memory_space<vmem_shared>> -> memref<784x8xf32, #tpu.memory_space<vmem_shared>>
        %dma_wait3A_209 = arith.constant 0 : i32
        %dma_wait3A_210 = tpu.memref_slice %arg11[%add3A_204, %dma_wait3A_209] : memref<100352x8xf32, #tpu.memory_space<vmem_shared>> -> memref<784x8xf32, #tpu.memory_space<vmem_shared>>
        tpu.wait_dma2 semaphore(%run_scoped3A : memref<!tpu.dma_semaphore, #tpu.memory_space<semaphore_mem>>) src(%arg10 : memref<784x8xf32, #tpu.memory_space<vmem>>) dst(%dma_wait3A_210 : memref<784x8xf32, #tpu.memory_space<vmem_shared>>)
        tpu.yield
      }) : () -> ()
    }
    %scan3A_64 = arith.constant 8 : i32
    %barrier3A = arith.constant 0 : index
    tpu.barrier barrier_id(%barrier3A)
    %broadcast_in_dim3A_65 = arith.constant 3 : i32
    %broadcast_in_dim3A_66 = vector.broadcast %broadcast_in_dim3A_65 : i32 to vector<16xi32>
    %scan3A_67 = arith.constant 0 : i32
    %scan3A_68 = arith.constant 128 : i32
    %scan3A_69 = arith.addi %scan3A_67, %scan3A_68 : i32
    %scan3A_70 = arith.constant 1 : i32
    scf.for %scan3A_195 = %scan3A_67 to %scan3A_69 step %scan3A_70  : i32 {
      %mul3A_196 = arith.constant 1 : i32
      %mul3A_197 = arith.muli %scan3A_195, %mul3A_196 : i32
      %add3A_198 = arith.constant 0 : i32
      %add3A_199 = arith.addi %add3A_198, %mul3A_197 : i32
      %mul3A_200 = arith.constant 16 : i32
      %mul3A_201 = arith.muli %add3A_199, %mul3A_200 : i32
      %add3A_202 = vector.broadcast %mul3A_201 : i32 to vector<16xi32>
      %add3A_203 = arith.addi %iota3A, %add3A_202 : vector<16xi32>
      tpu.vector_store_idx %arg9[%add3A_203, %broadcast_in_dim3A_66], %broadcast_in_dim3A_4 : memref<2048x8xf32, #tpu.memory_space<vmem>>[vector<16xi32>, vector<16xi32>], vector<16xf32>,
    }
    %scan3A_71 = arith.constant 128 : i32
    %broadcast_in_dim3A_72 = arith.constant 4 : i32
    %broadcast_in_dim3A_73 = vector.broadcast %broadcast_in_dim3A_72 : i32 to vector<16xi32>
    %scan3A_74 = arith.constant 0 : i32
    %scan3A_75 = arith.constant 128 : i32
    %scan3A_76 = arith.addi %scan3A_74, %scan3A_75 : i32
    %scan3A_77 = arith.constant 1 : i32
    scf.for %scan3A_195 = %scan3A_74 to %scan3A_76 step %scan3A_77  : i32 {
      %mul3A_196 = arith.constant 1 : i32
      %mul3A_197 = arith.muli %scan3A_195, %mul3A_196 : i32
      %add3A_198 = arith.constant 0 : i32
      %add3A_199 = arith.addi %add3A_198, %mul3A_197 : i32
      %mul3A_200 = arith.constant 16 : i32
      %mul3A_201 = arith.muli %add3A_199, %mul3A_200 : i32
      %add3A_202 = vector.broadcast %mul3A_201 : i32 to vector<16xi32>
      %add3A_203 = arith.addi %iota3A, %add3A_202 : vector<16xi32>
      tpu.vector_store_idx %arg9[%add3A_203, %broadcast_in_dim3A_73], %broadcast_in_dim3A_4 : memref<2048x8xf32, #tpu.memory_space<vmem>>[vector<16xi32>, vector<16xi32>], vector<16xf32>,
    }
    %scan3A_78 = arith.constant 128 : i32
    %broadcast_in_dim3A_79 = arith.constant 5 : i32
    %broadcast_in_dim3A_80 = vector.broadcast %broadcast_in_dim3A_79 : i32 to vector<16xi32>
    %scan3A_81 = arith.constant 0 : i32
    %scan3A_82 = arith.constant 128 : i32
    %scan3A_83 = arith.addi %scan3A_81, %scan3A_82 : i32
    %scan3A_84 = arith.constant 1 : i32
    scf.for %scan3A_195 = %scan3A_81 to %scan3A_83 step %scan3A_84  : i32 {
      %mul3A_196 = arith.constant 1 : i32
      %mul3A_197 = arith.muli %scan3A_195, %mul3A_196 : i32
      %add3A_198 = arith.constant 0 : i32
      %add3A_199 = arith.addi %add3A_198, %mul3A_197 : i32
      %mul3A_200 = arith.constant 16 : i32
      %mul3A_201 = arith.muli %add3A_199, %mul3A_200 : i32
      %add3A_202 = vector.broadcast %mul3A_201 : i32 to vector<16xi32>
      %add3A_203 = arith.addi %iota3A, %add3A_202 : vector<16xi32>
      tpu.vector_store_idx %arg9[%add3A_203, %broadcast_in_dim3A_80], %broadcast_in_dim3A_4 : memref<2048x8xf32, #tpu.memory_space<vmem>>[vector<16xi32>, vector<16xi32>], vector<16xf32>,
    }
    %scan3A_85 = arith.constant 128 : i32
    %broadcast_in_dim3A_86 = arith.constant 6 : i32
    %broadcast_in_dim3A_87 = vector.broadcast %broadcast_in_dim3A_86 : i32 to vector<16xi32>
    %scan3A_88 = arith.constant 0 : i32
    %scan3A_89 = arith.constant 128 : i32
    %scan3A_90 = arith.addi %scan3A_88, %scan3A_89 : i32
    %scan3A_91 = arith.constant 1 : i32
    scf.for %scan3A_195 = %scan3A_88 to %scan3A_90 step %scan3A_91  : i32 {
      %mul3A_196 = arith.constant 1 : i32
      %mul3A_197 = arith.muli %scan3A_195, %mul3A_196 : i32
      %add3A_198 = arith.constant 0 : i32
      %add3A_199 = arith.addi %add3A_198, %mul3A_197 : i32
      %mul3A_200 = arith.constant 16 : i32
      %mul3A_201 = arith.muli %add3A_199, %mul3A_200 : i32
      %add3A_202 = vector.broadcast %mul3A_201 : i32 to vector<16xi32>
      %add3A_203 = arith.addi %iota3A, %add3A_202 : vector<16xi32>
      tpu.vector_store_idx %arg9[%add3A_203, %broadcast_in_dim3A_87], %broadcast_in_dim3A_4 : memref<2048x8xf32, #tpu.memory_space<vmem>>[vector<16xi32>, vector<16xi32>], vector<16xf32>,
    }
    %scan3A_92 = arith.constant 128 : i32
    %broadcast_in_dim3A_93 = arith.constant 7 : i32
    %broadcast_in_dim3A_94 = vector.broadcast %broadcast_in_dim3A_93 : i32 to vector<16xi32>
    %scan3A_95 = arith.constant 0 : i32
    %scan3A_96 = arith.constant 128 : i32
    %scan3A_97 = arith.addi %scan3A_95, %scan3A_96 : i32
    %scan3A_98 = arith.constant 1 : i32
    scf.for %scan3A_195 = %scan3A_95 to %scan3A_97 step %scan3A_98  : i32 {
      %mul3A_196 = arith.constant 1 : i32
      %mul3A_197 = arith.muli %scan3A_195, %mul3A_196 : i32
      %add3A_198 = arith.constant 0 : i32
      %add3A_199 = arith.addi %add3A_198, %mul3A_197 : i32
      %mul3A_200 = arith.constant 16 : i32
      %mul3A_201 = arith.muli %add3A_199, %mul3A_200 : i32
      %add3A_202 = vector.broadcast %mul3A_201 : i32 to vector<16xi32>
      %add3A_203 = arith.addi %iota3A, %add3A_202 : vector<16xi32>
      tpu.vector_store_idx %arg9[%add3A_203, %broadcast_in_dim3A_94], %broadcast_in_dim3A_4 : memref<2048x8xf32, #tpu.memory_space<vmem>>[vector<16xi32>, vector<16xi32>], vector<16xf32>,
    }
    %scan3A_99 = arith.constant 128 : i32
    %mul3A_100 = arith.constant 6250 : i32
    %mul3A_101 = arith.muli %add3A, %mul3A_100 : i32
    %jit3A = arith.constant 32 : i32
    %div3A = arith.divsi %mul3A_101, %jit3A : i32
    %sign3A = arith.constant 0 : i32
    %sign3A_102 = arith.cmpi sgt, %mul3A_101, %sign3A : i32
    %sign3A_103 = arith.extui %sign3A_102 : i1 to i32
    %sign3A_104 = arith.constant 0 : i32
    %sign3A_105 = arith.cmpi slt, %mul3A_101, %sign3A_104 : i32
    %sign3A_106 = arith.extui %sign3A_105 : i1 to i32
    %sign3A_107 = arith.subi %sign3A_103, %sign3A_106 : i32
    %sign3A_108 = arith.constant 0 : i32
    %sign3A_109 = arith.cmpi sgt, %jit3A, %sign3A_108 : i32
    %sign3A_110 = arith.extui %sign3A_109 : i1 to i32
    %sign3A_111 = arith.constant 0 : i32
    %sign3A_112 = arith.cmpi slt, %jit3A, %sign3A_111 : i32
    %sign3A_113 = arith.extui %sign3A_112 : i1 to i32
    %sign3A_114 = arith.subi %sign3A_110, %sign3A_113 : i32
    %ne3A = arith.cmpi ne, %sign3A_107, %sign3A_114 : i32
    %rem3A = arith.remsi %mul3A_101, %jit3A : i32
    %ne3A_115 = arith.constant 0 : i32
    %ne3A_116 = arith.cmpi ne, %rem3A, %ne3A_115 : i32
    %and3A = arith.andi %ne3A, %ne3A_116 : i1
    %sub3A = arith.constant 1 : i32
    %sub3A_117 = arith.subi %div3A, %sub3A : i32
    %select_n3A = arith.select %and3A, %sub3A_117, %div3A : i32
    %mul3A_118 = arith.constant 8 : i32
    %mul3A_119 = arith.muli %mul3A_118, %select_n3A : i32
    %add3A_120 = arith.constant 1 : i32
    %add3A_121 = arith.addi %add3A, %add3A_120 : i32
    %mul3A_122 = arith.constant 6250 : i32
    %mul3A_123 = arith.muli %add3A_121, %mul3A_122 : i32
    %jit3A_124 = arith.constant 32 : i32
    %div3A_125 = arith.divsi %mul3A_123, %jit3A_124 : i32
    %sign3A_126 = arith.constant 0 : i32
    %sign3A_127 = arith.cmpi sgt, %mul3A_123, %sign3A_126 : i32
    %sign3A_128 = arith.extui %sign3A_127 : i1 to i32
    %sign3A_129 = arith.constant 0 : i32
    %sign3A_130 = arith.cmpi slt, %mul3A_123, %sign3A_129 : i32
    %sign3A_131 = arith.extui %sign3A_130 : i1 to i32
    %sign3A_132 = arith.subi %sign3A_128, %sign3A_131 : i32
    %sign3A_133 = arith.constant 0 : i32
    %sign3A_134 = arith.cmpi sgt, %jit3A_124, %sign3A_133 : i32
    %sign3A_135 = arith.extui %sign3A_134 : i1 to i32
    %sign3A_136 = arith.constant 0 : i32
    %sign3A_137 = arith.cmpi slt, %jit3A_124, %sign3A_136 : i32
    %sign3A_138 = arith.extui %sign3A_137 : i1 to i32
    %sign3A_139 = arith.subi %sign3A_135, %sign3A_138 : i32
    %ne3A_140 = arith.cmpi ne, %sign3A_132, %sign3A_139 : i32
    %rem3A_141 = arith.remsi %mul3A_123, %jit3A_124 : i32
    %ne3A_142 = arith.constant 0 : i32
    %ne3A_143 = arith.cmpi ne, %rem3A_141, %ne3A_142 : i32
    %and3A_144 = arith.andi %ne3A_140, %ne3A_143 : i1
    %sub3A_145 = arith.constant 1 : i32
    %sub3A_146 = arith.subi %div3A_125, %sub3A_145 : i32
    %select_n3A_147 = arith.select %and3A_144, %sub3A_146, %div3A_125 : i32
    %mul3A_148 = arith.constant 8 : i32
    %mul3A_149 = arith.muli %mul3A_148, %select_n3A_147 : i32
    %scan3A_150 = arith.constant 0 : i32
    %scan3A_151 = arith.constant 97 : i32
    %scan3A_152 = arith.addi %scan3A_150, %scan3A_151 : i32
    %scan3A_153 = arith.constant 1 : i32
    scf.for %scan3A_195 = %scan3A_150 to %scan3A_152 step %scan3A_153  : i32 {
      %mul3A_196 = arith.constant 1 : i32
      %mul3A_197 = arith.muli %scan3A_195, %mul3A_196 : i32
      %add3A_198 = arith.constant 0 : i32
      %add3A_199 = arith.addi %add3A_198, %mul3A_197 : i32
      %mul3A_200 = arith.constant 16 : i32
      %mul3A_201 = arith.muli %add3A_199, %mul3A_200 : i32
      %add3A_202 = arith.addi %mul3A_119, %mul3A_201 : i32
      %mul3A_203 = arith.constant 128 : i32
      %mul3A_204 = arith.muli %add3A_202, %mul3A_203 : i32
      "tpu.region"() ({
        %run_scoped3A = tpu.sem_alloc : memref<!tpu.dma_semaphore, #tpu.memory_space<semaphore_mem>>
        %dma_start3A = arith.constant 0 : i32
        %dma_start3A_216 = tpu.memref_slice %arg4[%add3A_202, %dma_start3A] : memref<50000x128xi32, #tpu.memory_space<hbm>> -> memref<16x128xi32, #tpu.memory_space<hbm>>
        %dma_start3A_217 = arith.constant 0 : i32
        %dma_start3A_218 = tpu.memref_slice %arg4[%add3A_202, %dma_start3A_217] : memref<50000x128xi32, #tpu.memory_space<hbm>> -> memref<16x128xi32, #tpu.memory_space<hbm>>
        tpu.enqueue_dma source(%dma_start3A_218 : memref<16x128xi32, #tpu.memory_space<hbm>>) target(%arg6 : memref<16x128xi32, #tpu.memory_space<vmem>>) target_semaphore(%run_scoped3A : memref<!tpu.dma_semaphore, #tpu.memory_space<semaphore_mem>>)
        %dma_wait3A = arith.constant 0 : i32
        %dma_wait3A_219 = tpu.memref_slice %arg4[%add3A_202, %dma_wait3A] : memref<50000x128xi32, #tpu.memory_space<hbm>> -> memref<16x128xi32, #tpu.memory_space<hbm>>
        %dma_wait3A_220 = arith.constant 0 : i32
        %dma_wait3A_221 = tpu.memref_slice %arg4[%add3A_202, %dma_wait3A_220] : memref<50000x128xi32, #tpu.memory_space<hbm>> -> memref<16x128xi32, #tpu.memory_space<hbm>>
        tpu.wait_dma2 semaphore(%run_scoped3A : memref<!tpu.dma_semaphore, #tpu.memory_space<semaphore_mem>>) src(%dma_wait3A_221 : memref<16x128xi32, #tpu.memory_space<hbm>>) dst(%arg6 : memref<16x128xi32, #tpu.memory_space<vmem>>)
        tpu.yield
      }) : () -> ()
      "tpu.region"() ({
        %run_scoped3A = tpu.sem_alloc : memref<!tpu.dma_semaphore, #tpu.memory_space<semaphore_mem>>
        %dma_start3A = tpu.memref_slice %arg2[%mul3A_204] : memref<6400000xf32, #tpu.memory_space<hbm>> -> memref<2048xf32, #tpu.memory_space<hbm>>
        %dma_start3A_216 = tpu.memref_slice %arg2[%mul3A_204] : memref<6400000xf32, #tpu.memory_space<hbm>> -> memref<2048xf32, #tpu.memory_space<hbm>>
        tpu.enqueue_dma source(%dma_start3A_216 : memref<2048xf32, #tpu.memory_space<hbm>>) target(%arg7 : memref<2048xf32, #tpu.memory_space<vmem>>) target_semaphore(%run_scoped3A : memref<!tpu.dma_semaphore, #tpu.memory_space<semaphore_mem>>)
        %dma_wait3A = tpu.memref_slice %arg2[%mul3A_204] : memref<6400000xf32, #tpu.memory_space<hbm>> -> memref<2048xf32, #tpu.memory_space<hbm>>
        %dma_wait3A_217 = tpu.memref_slice %arg2[%mul3A_204] : memref<6400000xf32, #tpu.memory_space<hbm>> -> memref<2048xf32, #tpu.memory_space<hbm>>
        tpu.wait_dma2 semaphore(%run_scoped3A : memref<!tpu.dma_semaphore, #tpu.memory_space<semaphore_mem>>) src(%dma_wait3A_217 : memref<2048xf32, #tpu.memory_space<hbm>>) dst(%arg7 : memref<2048xf32, #tpu.memory_space<vmem>>)
        tpu.yield
      }) : () -> ()
      %add3A_205 = arith.constant 0 : i32
      %add3A_206 = arith.addi %add3A_205, %mul3A_204 : i32
      "tpu.region"() ({
        %run_scoped3A = tpu.sem_alloc : memref<!tpu.dma_semaphore, #tpu.memory_space<semaphore_mem>>
        %dma_start3A = arith.constant 0 : i32
        %dma_start3A_216 = tpu.memref_slice %arg8[%dma_start3A] : memref<6144xf32, #tpu.memory_space<vmem>> -> memref<2048xf32, #tpu.memory_space<vmem>>
        %dma_start3A_217 = tpu.memref_slice %arg3[%add3A_206] : memref<19200000xf32, #tpu.memory_space<hbm>> -> memref<2048xf32, #tpu.memory_space<hbm>>
        %dma_start3A_218 = arith.constant 0 : i32
        %dma_start3A_219 = tpu.memref_slice %arg8[%dma_start3A_218] : memref<6144xf32, #tpu.memory_space<vmem>> -> memref<2048xf32, #tpu.memory_space<vmem>>
        %dma_start3A_220 = tpu.memref_slice %arg3[%add3A_206] : memref<19200000xf32, #tpu.memory_space<hbm>> -> memref<2048xf32, #tpu.memory_space<hbm>>
        tpu.enqueue_dma source(%dma_start3A_220 : memref<2048xf32, #tpu.memory_space<hbm>>) target(%dma_start3A_219 : memref<2048xf32, #tpu.memory_space<vmem>>) target_semaphore(%run_scoped3A : memref<!tpu.dma_semaphore, #tpu.memory_space<semaphore_mem>>)
        %dma_wait3A = arith.constant 0 : i32
        %dma_wait3A_221 = tpu.memref_slice %arg8[%dma_wait3A] : memref<6144xf32, #tpu.memory_space<vmem>> -> memref<2048xf32, #tpu.memory_space<vmem>>
        %dma_wait3A_222 = tpu.memref_slice %arg3[%add3A_206] : memref<19200000xf32, #tpu.memory_space<hbm>> -> memref<2048xf32, #tpu.memory_space<hbm>>
        %dma_wait3A_223 = arith.constant 0 : i32
        %dma_wait3A_224 = tpu.memref_slice %arg8[%dma_wait3A_223] : memref<6144xf32, #tpu.memory_space<vmem>> -> memref<2048xf32, #tpu.memory_space<vmem>>
        %dma_wait3A_225 = tpu.memref_slice %arg3[%add3A_206] : memref<19200000xf32, #tpu.memory_space<hbm>> -> memref<2048xf32, #tpu.memory_space<hbm>>
        tpu.wait_dma2 semaphore(%run_scoped3A : memref<!tpu.dma_semaphore, #tpu.memory_space<semaphore_mem>>) src(%dma_wait3A_225 : memref<2048xf32, #tpu.memory_space<hbm>>) dst(%dma_wait3A_224 : memref<2048xf32, #tpu.memory_space<vmem>>)
        tpu.yield
      }) : () -> ()
      %add3A_207 = arith.constant 6400000 : i32
      %add3A_208 = arith.addi %add3A_207, %mul3A_204 : i32
      "tpu.region"() ({
        %run_scoped3A = tpu.sem_alloc : memref<!tpu.dma_semaphore, #tpu.memory_space<semaphore_mem>>
        %dma_start3A = arith.constant 2048 : i32
        %dma_start3A_216 = tpu.memref_slice %arg8[%dma_start3A] : memref<6144xf32, #tpu.memory_space<vmem>> -> memref<2048xf32, #tpu.memory_space<vmem>>
        %dma_start3A_217 = tpu.memref_slice %arg3[%add3A_208] : memref<19200000xf32, #tpu.memory_space<hbm>> -> memref<2048xf32, #tpu.memory_space<hbm>>
        %dma_start3A_218 = arith.constant 2048 : i32
        %dma_start3A_219 = tpu.memref_slice %arg8[%dma_start3A_218] : memref<6144xf32, #tpu.memory_space<vmem>> -> memref<2048xf32, #tpu.memory_space<vmem>>
        %dma_start3A_220 = tpu.memref_slice %arg3[%add3A_208] : memref<19200000xf32, #tpu.memory_space<hbm>> -> memref<2048xf32, #tpu.memory_space<hbm>>
        tpu.enqueue_dma source(%dma_start3A_220 : memref<2048xf32, #tpu.memory_space<hbm>>) target(%dma_start3A_219 : memref<2048xf32, #tpu.memory_space<vmem>>) target_semaphore(%run_scoped3A : memref<!tpu.dma_semaphore, #tpu.memory_space<semaphore_mem>>)
        %dma_wait3A = arith.constant 2048 : i32
        %dma_wait3A_221 = tpu.memref_slice %arg8[%dma_wait3A] : memref<6144xf32, #tpu.memory_space<vmem>> -> memref<2048xf32, #tpu.memory_space<vmem>>
        %dma_wait3A_222 = tpu.memref_slice %arg3[%add3A_208] : memref<19200000xf32, #tpu.memory_space<hbm>> -> memref<2048xf32, #tpu.memory_space<hbm>>
        %dma_wait3A_223 = arith.constant 2048 : i32
        %dma_wait3A_224 = tpu.memref_slice %arg8[%dma_wait3A_223] : memref<6144xf32, #tpu.memory_space<vmem>> -> memref<2048xf32, #tpu.memory_space<vmem>>
        %dma_wait3A_225 = tpu.memref_slice %arg3[%add3A_208] : memref<19200000xf32, #tpu.memory_space<hbm>> -> memref<2048xf32, #tpu.memory_space<hbm>>
        tpu.wait_dma2 semaphore(%run_scoped3A : memref<!tpu.dma_semaphore, #tpu.memory_space<semaphore_mem>>) src(%dma_wait3A_225 : memref<2048xf32, #tpu.memory_space<hbm>>) dst(%dma_wait3A_224 : memref<2048xf32, #tpu.memory_space<vmem>>)
        tpu.yield
      }) : () -> ()
      %add3A_209 = arith.constant 12800000 : i32
      %add3A_210 = arith.addi %add3A_209, %mul3A_204 : i32
      "tpu.region"() ({
        %run_scoped3A = tpu.sem_alloc : memref<!tpu.dma_semaphore, #tpu.memory_space<semaphore_mem>>
        %dma_start3A = arith.constant 4096 : i32
        %dma_start3A_216 = tpu.memref_slice %arg8[%dma_start3A] : memref<6144xf32, #tpu.memory_space<vmem>> -> memref<2048xf32, #tpu.memory_space<vmem>>
        %dma_start3A_217 = tpu.memref_slice %arg3[%add3A_210] : memref<19200000xf32, #tpu.memory_space<hbm>> -> memref<2048xf32, #tpu.memory_space<hbm>>
        %dma_start3A_218 = arith.constant 4096 : i32
        %dma_start3A_219 = tpu.memref_slice %arg8[%dma_start3A_218] : memref<6144xf32, #tpu.memory_space<vmem>> -> memref<2048xf32, #tpu.memory_space<vmem>>
        %dma_start3A_220 = tpu.memref_slice %arg3[%add3A_210] : memref<19200000xf32, #tpu.memory_space<hbm>> -> memref<2048xf32, #tpu.memory_space<hbm>>
        tpu.enqueue_dma source(%dma_start3A_220 : memref<2048xf32, #tpu.memory_space<hbm>>) target(%dma_start3A_219 : memref<2048xf32, #tpu.memory_space<vmem>>) target_semaphore(%run_scoped3A : memref<!tpu.dma_semaphore, #tpu.memory_space<semaphore_mem>>)
        %dma_wait3A = arith.constant 4096 : i32
        %dma_wait3A_221 = tpu.memref_slice %arg8[%dma_wait3A] : memref<6144xf32, #tpu.memory_space<vmem>> -> memref<2048xf32, #tpu.memory_space<vmem>>
        %dma_wait3A_222 = tpu.memref_slice %arg3[%add3A_210] : memref<19200000xf32, #tpu.memory_space<hbm>> -> memref<2048xf32, #tpu.memory_space<hbm>>
        %dma_wait3A_223 = arith.constant 4096 : i32
        %dma_wait3A_224 = tpu.memref_slice %arg8[%dma_wait3A_223] : memref<6144xf32, #tpu.memory_space<vmem>> -> memref<2048xf32, #tpu.memory_space<vmem>>
        %dma_wait3A_225 = tpu.memref_slice %arg3[%add3A_210] : memref<19200000xf32, #tpu.memory_space<hbm>> -> memref<2048xf32, #tpu.memory_space<hbm>>
        tpu.wait_dma2 semaphore(%run_scoped3A : memref<!tpu.dma_semaphore, #tpu.memory_space<semaphore_mem>>) src(%dma_wait3A_225 : memref<2048xf32, #tpu.memory_space<hbm>>) dst(%dma_wait3A_224 : memref<2048xf32, #tpu.memory_space<vmem>>)
        tpu.yield
      }) : () -> ()
      %scan3A_211 = arith.constant 0 : i32
      %scan3A_212 = arith.constant 16 : i32
      %scan3A_213 = arith.addi %scan3A_211, %scan3A_212 : i32
      %scan3A_214 = arith.constant 1 : i32
      scf.for %scan3A_216 = %scan3A_211 to %scan3A_213 step %scan3A_214  : i32 {
        %mul3A_217 = arith.constant 1 : i32
        %mul3A_218 = arith.muli %scan3A_216, %mul3A_217 : i32
        %add3A_219 = arith.constant 0 : i32
        %add3A_220 = arith.addi %add3A_219, %mul3A_218 : i32
        %mul3A_221 = arith.constant 128 : i32
        %mul3A_222 = arith.muli %add3A_220, %mul3A_221 : i32
        %add3A_223 = arith.constant 0 : i32
        %add3A_224 = arith.addi %mul3A_222, %add3A_223 : i32
        %get3A = arith.index_cast %add3A_224 : i32 to index
        %get3A_225 = tpu.vector_load %arg7[%get3A] {strides = array<i32>} : memref<2048xf32, #tpu.memory_space<vmem>>, vector<16xf32>,
        %add3A_226 = vector.broadcast %add3A_224 : i32 to vector<16xi32>
        %add3A_227 = arith.addi %iota3A, %add3A_226 : vector<16xi32>
        %add3A_228 = arith.constant 0 : i32
        %add3A_229 = arith.addi %add3A_228, %add3A_224 : i32
        %get3A_230 = arith.index_cast %add3A_229 : i32 to index
        %get3A_231 = tpu.vector_load %arg8[%get3A_230] {strides = array<i32>} : memref<6144xf32, #tpu.memory_space<vmem>>, vector<16xf32>,
        %broadcast_in_dim3A_232 = arith.constant 0 : i32
        %broadcast_in_dim3A_233 = vector.broadcast %broadcast_in_dim3A_232 : i32 to vector<16xi32>
        %mul3A_234 = arith.mulf %get3A_225, %get3A_231 : vector<16xf32>
        tpu.vector_store_idx %arg9[%add3A_227, %broadcast_in_dim3A_233], %mul3A_234 : memref<2048x8xf32, #tpu.memory_space<vmem>>[vector<16xi32>, vector<16xi32>], vector<16xf32>,
        %add3A_235 = arith.constant 2048 : i32
        %add3A_236 = arith.addi %add3A_235, %add3A_224 : i32
        %get3A_237 = arith.index_cast %add3A_236 : i32 to index
        %get3A_238 = tpu.vector_load %arg8[%get3A_237] {strides = array<i32>} : memref<6144xf32, #tpu.memory_space<vmem>>, vector<16xf32>,
        %broadcast_in_dim3A_239 = arith.constant 1 : i32
        %broadcast_in_dim3A_240 = vector.broadcast %broadcast_in_dim3A_239 : i32 to vector<16xi32>
        %mul3A_241 = arith.mulf %get3A_225, %get3A_238 : vector<16xf32>
        tpu.vector_store_idx %arg9[%add3A_227, %broadcast_in_dim3A_240], %mul3A_241 : memref<2048x8xf32, #tpu.memory_space<vmem>>[vector<16xi32>, vector<16xi32>], vector<16xf32>,
        %add3A_242 = arith.constant 4096 : i32
        %add3A_243 = arith.addi %add3A_242, %add3A_224 : i32
        %get3A_244 = arith.index_cast %add3A_243 : i32 to index
        %get3A_245 = tpu.vector_load %arg8[%get3A_244] {strides = array<i32>} : memref<6144xf32, #tpu.memory_space<vmem>>, vector<16xf32>,
        %broadcast_in_dim3A_246 = arith.constant 2 : i32
        %broadcast_in_dim3A_247 = vector.broadcast %broadcast_in_dim3A_246 : i32 to vector<16xi32>
        %mul3A_248 = arith.mulf %get3A_225, %get3A_245 : vector<16xf32>
        tpu.vector_store_idx %arg9[%add3A_227, %broadcast_in_dim3A_247], %mul3A_248 : memref<2048x8xf32, #tpu.memory_space<vmem>>[vector<16xi32>, vector<16xi32>], vector<16xf32>,
        %add3A_249 = arith.constant 16 : i32
        %add3A_250 = arith.addi %mul3A_222, %add3A_249 : i32
        %get3A_251 = arith.index_cast %add3A_250 : i32 to index
        %get3A_252 = tpu.vector_load %arg7[%get3A_251] {strides = array<i32>} : memref<2048xf32, #tpu.memory_space<vmem>>, vector<16xf32>,
        %add3A_253 = vector.broadcast %add3A_250 : i32 to vector<16xi32>
        %add3A_254 = arith.addi %iota3A, %add3A_253 : vector<16xi32>
        %add3A_255 = arith.constant 0 : i32
        %add3A_256 = arith.addi %add3A_255, %add3A_250 : i32
        %get3A_257 = arith.index_cast %add3A_256 : i32 to index
        %get3A_258 = tpu.vector_load %arg8[%get3A_257] {strides = array<i32>} : memref<6144xf32, #tpu.memory_space<vmem>>, vector<16xf32>,
        %broadcast_in_dim3A_259 = arith.constant 0 : i32
        %broadcast_in_dim3A_260 = vector.broadcast %broadcast_in_dim3A_259 : i32 to vector<16xi32>
        %mul3A_261 = arith.mulf %get3A_252, %get3A_258 : vector<16xf32>
        tpu.vector_store_idx %arg9[%add3A_254, %broadcast_in_dim3A_260], %mul3A_261 : memref<2048x8xf32, #tpu.memory_space<vmem>>[vector<16xi32>, vector<16xi32>], vector<16xf32>,
        %add3A_262 = arith.constant 2048 : i32
        %add3A_263 = arith.addi %add3A_262, %add3A_250 : i32
        %get3A_264 = arith.index_cast %add3A_263 : i32 to index
        %get3A_265 = tpu.vector_load %arg8[%get3A_264] {strides = array<i32>} : memref<6144xf32, #tpu.memory_space<vmem>>, vector<16xf32>,
        %broadcast_in_dim3A_266 = arith.constant 1 : i32
        %broadcast_in_dim3A_267 = vector.broadcast %broadcast_in_dim3A_266 : i32 to vector<16xi32>
        %mul3A_268 = arith.mulf %get3A_252, %get3A_265 : vector<16xf32>
        tpu.vector_store_idx %arg9[%add3A_254, %broadcast_in_dim3A_267], %mul3A_268 : memref<2048x8xf32, #tpu.memory_space<vmem>>[vector<16xi32>, vector<16xi32>], vector<16xf32>,
        %add3A_269 = arith.constant 4096 : i32
        %add3A_270 = arith.addi %add3A_269, %add3A_250 : i32
        %get3A_271 = arith.index_cast %add3A_270 : i32 to index
        %get3A_272 = tpu.vector_load %arg8[%get3A_271] {strides = array<i32>} : memref<6144xf32, #tpu.memory_space<vmem>>, vector<16xf32>,
        %broadcast_in_dim3A_273 = arith.constant 2 : i32
        %broadcast_in_dim3A_274 = vector.broadcast %broadcast_in_dim3A_273 : i32 to vector<16xi32>
        %mul3A_275 = arith.mulf %get3A_252, %get3A_272 : vector<16xf32>
        tpu.vector_store_idx %arg9[%add3A_254, %broadcast_in_dim3A_274], %mul3A_275 : memref<2048x8xf32, #tpu.memory_space<vmem>>[vector<16xi32>, vector<16xi32>], vector<16xf32>,
        %add3A_276 = arith.constant 32 : i32
        %add3A_277 = arith.addi %mul3A_222, %add3A_276 : i32
        %get3A_278 = arith.index_cast %add3A_277 : i32 to index
        %get3A_279 = tpu.vector_load %arg7[%get3A_278] {strides = array<i32>} : memref<2048xf32, #tpu.memory_space<vmem>>, vector<16xf32>,
        %add3A_280 = vector.broadcast %add3A_277 : i32 to vector<16xi32>
        %add3A_281 = arith.addi %iota3A, %add3A_280 : vector<16xi32>
        %add3A_282 = arith.constant 0 : i32
        %add3A_283 = arith.addi %add3A_282, %add3A_277 : i32
        %get3A_284 = arith.index_cast %add3A_283 : i32 to index
        %get3A_285 = tpu.vector_load %arg8[%get3A_284] {strides = array<i32>} : memref<6144xf32, #tpu.memory_space<vmem>>, vector<16xf32>,
        %broadcast_in_dim3A_286 = arith.constant 0 : i32
        %broadcast_in_dim3A_287 = vector.broadcast %broadcast_in_dim3A_286 : i32 to vector<16xi32>
        %mul3A_288 = arith.mulf %get3A_279, %get3A_285 : vector<16xf32>
        tpu.vector_store_idx %arg9[%add3A_281, %broadcast_in_dim3A_287], %mul3A_288 : memref<2048x8xf32, #tpu.memory_space<vmem>>[vector<16xi32>, vector<16xi32>], vector<16xf32>,
        %add3A_289 = arith.constant 2048 : i32
        %add3A_290 = arith.addi %add3A_289, %add3A_277 : i32
        %get3A_291 = arith.index_cast %add3A_290 : i32 to index
        %get3A_292 = tpu.vector_load %arg8[%get3A_291] {strides = array<i32>} : memref<6144xf32, #tpu.memory_space<vmem>>, vector<16xf32>,
        %broadcast_in_dim3A_293 = arith.constant 1 : i32
        %broadcast_in_dim3A_294 = vector.broadcast %broadcast_in_dim3A_293 : i32 to vector<16xi32>
        %mul3A_295 = arith.mulf %get3A_279, %get3A_292 : vector<16xf32>
        tpu.vector_store_idx %arg9[%add3A_281, %broadcast_in_dim3A_294], %mul3A_295 : memref<2048x8xf32, #tpu.memory_space<vmem>>[vector<16xi32>, vector<16xi32>], vector<16xf32>,
        %add3A_296 = arith.constant 4096 : i32
        %add3A_297 = arith.addi %add3A_296, %add3A_277 : i32
        %get3A_298 = arith.index_cast %add3A_297 : i32 to index
        %get3A_299 = tpu.vector_load %arg8[%get3A_298] {strides = array<i32>} : memref<6144xf32, #tpu.memory_space<vmem>>, vector<16xf32>,
        %broadcast_in_dim3A_300 = arith.constant 2 : i32
        %broadcast_in_dim3A_301 = vector.broadcast %broadcast_in_dim3A_300 : i32 to vector<16xi32>
        %mul3A_302 = arith.mulf %get3A_279, %get3A_299 : vector<16xf32>
        tpu.vector_store_idx %arg9[%add3A_281, %broadcast_in_dim3A_301], %mul3A_302 : memref<2048x8xf32, #tpu.memory_space<vmem>>[vector<16xi32>, vector<16xi32>], vector<16xf32>,
        %add3A_303 = arith.constant 48 : i32
        %add3A_304 = arith.addi %mul3A_222, %add3A_303 : i32
        %get3A_305 = arith.index_cast %add3A_304 : i32 to index
        %get3A_306 = tpu.vector_load %arg7[%get3A_305] {strides = array<i32>} : memref<2048xf32, #tpu.memory_space<vmem>>, vector<16xf32>,
        %add3A_307 = vector.broadcast %add3A_304 : i32 to vector<16xi32>
        %add3A_308 = arith.addi %iota3A, %add3A_307 : vector<16xi32>
        %add3A_309 = arith.constant 0 : i32
        %add3A_310 = arith.addi %add3A_309, %add3A_304 : i32
        %get3A_311 = arith.index_cast %add3A_310 : i32 to index
        %get3A_312 = tpu.vector_load %arg8[%get3A_311] {strides = array<i32>} : memref<6144xf32, #tpu.memory_space<vmem>>, vector<16xf32>,
        %broadcast_in_dim3A_313 = arith.constant 0 : i32
        %broadcast_in_dim3A_314 = vector.broadcast %broadcast_in_dim3A_313 : i32 to vector<16xi32>
        %mul3A_315 = arith.mulf %get3A_306, %get3A_312 : vector<16xf32>
        tpu.vector_store_idx %arg9[%add3A_308, %broadcast_in_dim3A_314], %mul3A_315 : memref<2048x8xf32, #tpu.memory_space<vmem>>[vector<16xi32>, vector<16xi32>], vector<16xf32>,
        %add3A_316 = arith.constant 2048 : i32
        %add3A_317 = arith.addi %add3A_316, %add3A_304 : i32
        %get3A_318 = arith.index_cast %add3A_317 : i32 to index
        %get3A_319 = tpu.vector_load %arg8[%get3A_318] {strides = array<i32>} : memref<6144xf32, #tpu.memory_space<vmem>>, vector<16xf32>,
        %broadcast_in_dim3A_320 = arith.constant 1 : i32
        %broadcast_in_dim3A_321 = vector.broadcast %broadcast_in_dim3A_320 : i32 to vector<16xi32>
        %mul3A_322 = arith.mulf %get3A_306, %get3A_319 : vector<16xf32>
        tpu.vector_store_idx %arg9[%add3A_308, %broadcast_in_dim3A_321], %mul3A_322 : memref<2048x8xf32, #tpu.memory_space<vmem>>[vector<16xi32>, vector<16xi32>], vector<16xf32>,
        %add3A_323 = arith.constant 4096 : i32
        %add3A_324 = arith.addi %add3A_323, %add3A_304 : i32
        %get3A_325 = arith.index_cast %add3A_324 : i32 to index
        %get3A_326 = tpu.vector_load %arg8[%get3A_325] {strides = array<i32>} : memref<6144xf32, #tpu.memory_space<vmem>>, vector<16xf32>,
        %broadcast_in_dim3A_327 = arith.constant 2 : i32
        %broadcast_in_dim3A_328 = vector.broadcast %broadcast_in_dim3A_327 : i32 to vector<16xi32>
        %mul3A_329 = arith.mulf %get3A_306, %get3A_326 : vector<16xf32>
        tpu.vector_store_idx %arg9[%add3A_308, %broadcast_in_dim3A_328], %mul3A_329 : memref<2048x8xf32, #tpu.memory_space<vmem>>[vector<16xi32>, vector<16xi32>], vector<16xf32>,
        %add3A_330 = arith.constant 64 : i32
        %add3A_331 = arith.addi %mul3A_222, %add3A_330 : i32
        %get3A_332 = arith.index_cast %add3A_331 : i32 to index
        %get3A_333 = tpu.vector_load %arg7[%get3A_332] {strides = array<i32>} : memref<2048xf32, #tpu.memory_space<vmem>>, vector<16xf32>,
        %add3A_334 = vector.broadcast %add3A_331 : i32 to vector<16xi32>
        %add3A_335 = arith.addi %iota3A, %add3A_334 : vector<16xi32>
        %add3A_336 = arith.constant 0 : i32
        %add3A_337 = arith.addi %add3A_336, %add3A_331 : i32
        %get3A_338 = arith.index_cast %add3A_337 : i32 to index
        %get3A_339 = tpu.vector_load %arg8[%get3A_338] {strides = array<i32>} : memref<6144xf32, #tpu.memory_space<vmem>>, vector<16xf32>,
        %broadcast_in_dim3A_340 = arith.constant 0 : i32
        %broadcast_in_dim3A_341 = vector.broadcast %broadcast_in_dim3A_340 : i32 to vector<16xi32>
        %mul3A_342 = arith.mulf %get3A_333, %get3A_339 : vector<16xf32>
        tpu.vector_store_idx %arg9[%add3A_335, %broadcast_in_dim3A_341], %mul3A_342 : memref<2048x8xf32, #tpu.memory_space<vmem>>[vector<16xi32>, vector<16xi32>], vector<16xf32>,
        %add3A_343 = arith.constant 2048 : i32
        %add3A_344 = arith.addi %add3A_343, %add3A_331 : i32
        %get3A_345 = arith.index_cast %add3A_344 : i32 to index
        %get3A_346 = tpu.vector_load %arg8[%get3A_345] {strides = array<i32>} : memref<6144xf32, #tpu.memory_space<vmem>>, vector<16xf32>,
        %broadcast_in_dim3A_347 = arith.constant 1 : i32
        %broadcast_in_dim3A_348 = vector.broadcast %broadcast_in_dim3A_347 : i32 to vector<16xi32>
        %mul3A_349 = arith.mulf %get3A_333, %get3A_346 : vector<16xf32>
        tpu.vector_store_idx %arg9[%add3A_335, %broadcast_in_dim3A_348], %mul3A_349 : memref<2048x8xf32, #tpu.memory_space<vmem>>[vector<16xi32>, vector<16xi32>], vector<16xf32>,
        %add3A_350 = arith.constant 4096 : i32
        %add3A_351 = arith.addi %add3A_350, %add3A_331 : i32
        %get3A_352 = arith.index_cast %add3A_351 : i32 to index
        %get3A_353 = tpu.vector_load %arg8[%get3A_352] {strides = array<i32>} : memref<6144xf32, #tpu.memory_space<vmem>>, vector<16xf32>,
        %broadcast_in_dim3A_354 = arith.constant 2 : i32
        %broadcast_in_dim3A_355 = vector.broadcast %broadcast_in_dim3A_354 : i32 to vector<16xi32>
        %mul3A_356 = arith.mulf %get3A_333, %get3A_353 : vector<16xf32>
        tpu.vector_store_idx %arg9[%add3A_335, %broadcast_in_dim3A_355], %mul3A_356 : memref<2048x8xf32, #tpu.memory_space<vmem>>[vector<16xi32>, vector<16xi32>], vector<16xf32>,
        %add3A_357 = arith.constant 80 : i32
        %add3A_358 = arith.addi %mul3A_222, %add3A_357 : i32
        %get3A_359 = arith.index_cast %add3A_358 : i32 to index
        %get3A_360 = tpu.vector_load %arg7[%get3A_359] {strides = array<i32>} : memref<2048xf32, #tpu.memory_space<vmem>>, vector<16xf32>,
        %add3A_361 = vector.broadcast %add3A_358 : i32 to vector<16xi32>
        %add3A_362 = arith.addi %iota3A, %add3A_361 : vector<16xi32>
        %add3A_363 = arith.constant 0 : i32
        %add3A_364 = arith.addi %add3A_363, %add3A_358 : i32
        %get3A_365 = arith.index_cast %add3A_364 : i32 to index
        %get3A_366 = tpu.vector_load %arg8[%get3A_365] {strides = array<i32>} : memref<6144xf32, #tpu.memory_space<vmem>>, vector<16xf32>,
        %broadcast_in_dim3A_367 = arith.constant 0 : i32
        %broadcast_in_dim3A_368 = vector.broadcast %broadcast_in_dim3A_367 : i32 to vector<16xi32>
        %mul3A_369 = arith.mulf %get3A_360, %get3A_366 : vector<16xf32>
        tpu.vector_store_idx %arg9[%add3A_362, %broadcast_in_dim3A_368], %mul3A_369 : memref<2048x8xf32, #tpu.memory_space<vmem>>[vector<16xi32>, vector<16xi32>], vector<16xf32>,
        %add3A_370 = arith.constant 2048 : i32
        %add3A_371 = arith.addi %add3A_370, %add3A_358 : i32
        %get3A_372 = arith.index_cast %add3A_371 : i32 to index
        %get3A_373 = tpu.vector_load %arg8[%get3A_372] {strides = array<i32>} : memref<6144xf32, #tpu.memory_space<vmem>>, vector<16xf32>,
        %broadcast_in_dim3A_374 = arith.constant 1 : i32
        %broadcast_in_dim3A_375 = vector.broadcast %broadcast_in_dim3A_374 : i32 to vector<16xi32>
        %mul3A_376 = arith.mulf %get3A_360, %get3A_373 : vector<16xf32>
        tpu.vector_store_idx %arg9[%add3A_362, %broadcast_in_dim3A_375], %mul3A_376 : memref<2048x8xf32, #tpu.memory_space<vmem>>[vector<16xi32>, vector<16xi32>], vector<16xf32>,
        %add3A_377 = arith.constant 4096 : i32
        %add3A_378 = arith.addi %add3A_377, %add3A_358 : i32
        %get3A_379 = arith.index_cast %add3A_378 : i32 to index
        %get3A_380 = tpu.vector_load %arg8[%get3A_379] {strides = array<i32>} : memref<6144xf32, #tpu.memory_space<vmem>>, vector<16xf32>,
        %broadcast_in_dim3A_381 = arith.constant 2 : i32
        %broadcast_in_dim3A_382 = vector.broadcast %broadcast_in_dim3A_381 : i32 to vector<16xi32>
        %mul3A_383 = arith.mulf %get3A_360, %get3A_380 : vector<16xf32>
        tpu.vector_store_idx %arg9[%add3A_362, %broadcast_in_dim3A_382], %mul3A_383 : memref<2048x8xf32, #tpu.memory_space<vmem>>[vector<16xi32>, vector<16xi32>], vector<16xf32>,
        %add3A_384 = arith.constant 96 : i32
        %add3A_385 = arith.addi %mul3A_222, %add3A_384 : i32
        %get3A_386 = arith.index_cast %add3A_385 : i32 to index
        %get3A_387 = tpu.vector_load %arg7[%get3A_386] {strides = array<i32>} : memref<2048xf32, #tpu.memory_space<vmem>>, vector<16xf32>,
        %add3A_388 = vector.broadcast %add3A_385 : i32 to vector<16xi32>
        %add3A_389 = arith.addi %iota3A, %add3A_388 : vector<16xi32>
        %add3A_390 = arith.constant 0 : i32
        %add3A_391 = arith.addi %add3A_390, %add3A_385 : i32
        %get3A_392 = arith.index_cast %add3A_391 : i32 to index
        %get3A_393 = tpu.vector_load %arg8[%get3A_392] {strides = array<i32>} : memref<6144xf32, #tpu.memory_space<vmem>>, vector<16xf32>,
        %broadcast_in_dim3A_394 = arith.constant 0 : i32
        %broadcast_in_dim3A_395 = vector.broadcast %broadcast_in_dim3A_394 : i32 to vector<16xi32>
        %mul3A_396 = arith.mulf %get3A_387, %get3A_393 : vector<16xf32>
        tpu.vector_store_idx %arg9[%add3A_389, %broadcast_in_dim3A_395], %mul3A_396 : memref<2048x8xf32, #tpu.memory_space<vmem>>[vector<16xi32>, vector<16xi32>], vector<16xf32>,
        %add3A_397 = arith.constant 2048 : i32
        %add3A_398 = arith.addi %add3A_397, %add3A_385 : i32
        %get3A_399 = arith.index_cast %add3A_398 : i32 to index
        %get3A_400 = tpu.vector_load %arg8[%get3A_399] {strides = array<i32>} : memref<6144xf32, #tpu.memory_space<vmem>>, vector<16xf32>,
        %broadcast_in_dim3A_401 = arith.constant 1 : i32
        %broadcast_in_dim3A_402 = vector.broadcast %broadcast_in_dim3A_401 : i32 to vector<16xi32>
        %mul3A_403 = arith.mulf %get3A_387, %get3A_400 : vector<16xf32>
        tpu.vector_store_idx %arg9[%add3A_389, %broadcast_in_dim3A_402], %mul3A_403 : memref<2048x8xf32, #tpu.memory_space<vmem>>[vector<16xi32>, vector<16xi32>], vector<16xf32>,
        %add3A_404 = arith.constant 4096 : i32
        %add3A_405 = arith.addi %add3A_404, %add3A_385 : i32
        %get3A_406 = arith.index_cast %add3A_405 : i32 to index
        %get3A_407 = tpu.vector_load %arg8[%get3A_406] {strides = array<i32>} : memref<6144xf32, #tpu.memory_space<vmem>>, vector<16xf32>,
        %broadcast_in_dim3A_408 = arith.constant 2 : i32
        %broadcast_in_dim3A_409 = vector.broadcast %broadcast_in_dim3A_408 : i32 to vector<16xi32>
        %mul3A_410 = arith.mulf %get3A_387, %get3A_407 : vector<16xf32>
        tpu.vector_store_idx %arg9[%add3A_389, %broadcast_in_dim3A_409], %mul3A_410 : memref<2048x8xf32, #tpu.memory_space<vmem>>[vector<16xi32>, vector<16xi32>], vector<16xf32>,
        %add3A_411 = arith.constant 112 : i32
        %add3A_412 = arith.addi %mul3A_222, %add3A_411 : i32
        %get3A_413 = arith.index_cast %add3A_412 : i32 to index
        %get3A_414 = tpu.vector_load %arg7[%get3A_413] {strides = array<i32>} : memref<2048xf32, #tpu.memory_space<vmem>>, vector<16xf32>,
        %add3A_415 = vector.broadcast %add3A_412 : i32 to vector<16xi32>
        %add3A_416 = arith.addi %iota3A, %add3A_415 : vector<16xi32>
        %add3A_417 = arith.constant 0 : i32
        %add3A_418 = arith.addi %add3A_417, %add3A_412 : i32
        %get3A_419 = arith.index_cast %add3A_418 : i32 to index
        %get3A_420 = tpu.vector_load %arg8[%get3A_419] {strides = array<i32>} : memref<6144xf32, #tpu.memory_space<vmem>>, vector<16xf32>,
        %broadcast_in_dim3A_421 = arith.constant 0 : i32
        %broadcast_in_dim3A_422 = vector.broadcast %broadcast_in_dim3A_421 : i32 to vector<16xi32>
        %mul3A_423 = arith.mulf %get3A_414, %get3A_420 : vector<16xf32>
        tpu.vector_store_idx %arg9[%add3A_416, %broadcast_in_dim3A_422], %mul3A_423 : memref<2048x8xf32, #tpu.memory_space<vmem>>[vector<16xi32>, vector<16xi32>], vector<16xf32>,
        %add3A_424 = arith.constant 2048 : i32
        %add3A_425 = arith.addi %add3A_424, %add3A_412 : i32
        %get3A_426 = arith.index_cast %add3A_425 : i32 to index
        %get3A_427 = tpu.vector_load %arg8[%get3A_426] {strides = array<i32>} : memref<6144xf32, #tpu.memory_space<vmem>>, vector<16xf32>,
        %broadcast_in_dim3A_428 = arith.constant 1 : i32
        %broadcast_in_dim3A_429 = vector.broadcast %broadcast_in_dim3A_428 : i32 to vector<16xi32>
        %mul3A_430 = arith.mulf %get3A_414, %get3A_427 : vector<16xf32>
        tpu.vector_store_idx %arg9[%add3A_416, %broadcast_in_dim3A_429], %mul3A_430 : memref<2048x8xf32, #tpu.memory_space<vmem>>[vector<16xi32>, vector<16xi32>], vector<16xf32>,
        %add3A_431 = arith.constant 4096 : i32
        %add3A_432 = arith.addi %add3A_431, %add3A_412 : i32
        %get3A_433 = arith.index_cast %add3A_432 : i32 to index
        %get3A_434 = tpu.vector_load %arg8[%get3A_433] {strides = array<i32>} : memref<6144xf32, #tpu.memory_space<vmem>>, vector<16xf32>,
        %broadcast_in_dim3A_435 = arith.constant 2 : i32
        %broadcast_in_dim3A_436 = vector.broadcast %broadcast_in_dim3A_435 : i32 to vector<16xi32>
        %mul3A_437 = arith.mulf %get3A_414, %get3A_434 : vector<16xf32>
        tpu.vector_store_idx %arg9[%add3A_416, %broadcast_in_dim3A_436], %mul3A_437 : memref<2048x8xf32, #tpu.memory_space<vmem>>[vector<16xi32>, vector<16xi32>], vector<16xf32>,
        "tpu.region"() ({
          %run_scoped3A = tpu.sem_alloc : memref<!tpu.dma_semaphore, #tpu.memory_space<semaphore_mem>>
          %dma_start3A = arith.constant 0 : i32
          %dma_start3A_438 = tpu.memref_slice %arg9[%mul3A_222, %dma_start3A] : memref<2048x8xf32, #tpu.memory_space<vmem>> -> memref<128x8xf32, #tpu.memory_space<vmem>>
          %dma_start3A_439 = arith.constant 0 : i32
          %dma_start3A_440 = tpu.memref_slice %arg6[%add3A_220, %dma_start3A_439] : memref<16x128xi32, #tpu.memory_space<vmem>> -> memref<1x128xi32, #tpu.memory_space<vmem>>
          %dma_start3A_441 = tpu.memref_squeeze %dma_start3A_440 : memref<1x128xi32, #tpu.memory_space<vmem>> -> memref<128xi32, #tpu.memory_space<vmem>>
          %dma_start3A_442 = arith.constant 0 : i32
          %dma_start3A_443 = arith.constant 0 : i32
          %dma_start3A_444 = tpu.memref_slice %arg11[%dma_start3A_442, %dma_start3A_443] : memref<100352x8xf32, #tpu.memory_space<vmem_shared>> -> memref<100352x8xf32, #tpu.memory_space<vmem_shared>>
          tpu.enqueue_indirect_dma source(%dma_start3A_438 : memref<128x8xf32, #tpu.memory_space<vmem>>) target(%dma_start3A_444 : memref<100352x8xf32, #tpu.memory_space<vmem_shared>>) offsets(%dma_start3A_441 : memref<128xi32, #tpu.memory_space<vmem>>) semaphore(%run_scoped3A : memref<!tpu.dma_semaphore, #tpu.memory_space<semaphore_mem>>) {add = true}
          %dma_wait3A = arith.constant 0 : i32
          %dma_wait3A_445 = tpu.memref_slice %arg9[%mul3A_222, %dma_wait3A] : memref<2048x8xf32, #tpu.memory_space<vmem>> -> memref<128x8xf32, #tpu.memory_space<vmem>>
          %dma_wait3A_446 = arith.constant 0 : i32
          %dma_wait3A_447 = tpu.memref_slice %arg6[%add3A_220, %dma_wait3A_446] : memref<16x128xi32, #tpu.memory_space<vmem>> -> memref<1x128xi32, #tpu.memory_space<vmem>>
          %dma_wait3A_448 = tpu.memref_squeeze %dma_wait3A_447 : memref<1x128xi32, #tpu.memory_space<vmem>> -> memref<128xi32, #tpu.memory_space<vmem>>
          %dma_wait3A_449 = arith.constant 0 : i32
          %dma_wait3A_450 = arith.constant 0 : i32
          %dma_wait3A_451 = tpu.memref_slice %arg11[%dma_wait3A_449, %dma_wait3A_450] : memref<100352x8xf32, #tpu.memory_space<vmem_shared>> -> memref<100352x8xf32, #tpu.memory_space<vmem_shared>>
          tpu.wait_indirect_dma semaphore(%run_scoped3A : memref<!tpu.dma_semaphore, #tpu.memory_space<semaphore_mem>>) src(%dma_wait3A_445 : memref<128x8xf32, #tpu.memory_space<vmem>>) dst(%dma_wait3A_451 : memref<100352x8xf32, #tpu.memory_space<vmem_shared>>)
          tpu.yield
        }) : () -> ()
      }
      %scan3A_215 = arith.constant 16 : i32
    }
    %scan3A_154 = arith.constant 97 : i32
    %sub3A_155 = arith.constant 16 : i32
    %sub3A_156 = arith.subi %mul3A_149, %sub3A_155 : i32
    %sub3A_157 = arith.subi %mul3A_149, %mul3A_119 : i32
    %sub3A_158 = arith.constant 1552 : i32
    %sub3A_159 = arith.subi %sub3A_157, %sub3A_158 : i32
    %sub3A_160 = arith.constant 16 : i32
    %sub3A_161 = arith.subi %sub3A_160, %sub3A_159 : i32
    %mul3A_162 = arith.constant 128 : i32
    %mul3A_163 = arith.muli %sub3A_156, %mul3A_162 : i32
    "tpu.region"() ({
      %run_scoped3A = tpu.sem_alloc : memref<!tpu.dma_semaphore, #tpu.memory_space<semaphore_mem>>
      %dma_start3A = arith.constant 0 : i32
      %dma_start3A_195 = tpu.memref_slice %arg4[%sub3A_156, %dma_start3A] : memref<50000x128xi32, #tpu.memory_space<hbm>> -> memref<16x128xi32, #tpu.memory_space<hbm>>
      %dma_start3A_196 = arith.constant 0 : i32
      %dma_start3A_197 = tpu.memref_slice %arg4[%sub3A_156, %dma_start3A_196] : memref<50000x128xi32, #tpu.memory_space<hbm>> -> memref<16x128xi32, #tpu.memory_space<hbm>>
      tpu.enqueue_dma source(%dma_start3A_197 : memref<16x128xi32, #tpu.memory_space<hbm>>) target(%arg6 : memref<16x128xi32, #tpu.memory_space<vmem>>) target_semaphore(%run_scoped3A : memref<!tpu.dma_semaphore, #tpu.memory_space<semaphore_mem>>)
      %dma_wait3A = arith.constant 0 : i32
      %dma_wait3A_198 = tpu.memref_slice %arg4[%sub3A_156, %dma_wait3A] : memref<50000x128xi32, #tpu.memory_space<hbm>> -> memref<16x128xi32, #tpu.memory_space<hbm>>
      %dma_wait3A_199 = arith.constant 0 : i32
      %dma_wait3A_200 = tpu.memref_slice %arg4[%sub3A_156, %dma_wait3A_199] : memref<50000x128xi32, #tpu.memory_space<hbm>> -> memref<16x128xi32, #tpu.memory_space<hbm>>
      tpu.wait_dma2 semaphore(%run_scoped3A : memref<!tpu.dma_semaphore, #tpu.memory_space<semaphore_mem>>) src(%dma_wait3A_200 : memref<16x128xi32, #tpu.memory_space<hbm>>) dst(%arg6 : memref<16x128xi32, #tpu.memory_space<vmem>>)
      tpu.yield
    }) : () -> ()
    "tpu.region"() ({
      %run_scoped3A = tpu.sem_alloc : memref<!tpu.dma_semaphore, #tpu.memory_space<semaphore_mem>>
      %dma_start3A = tpu.memref_slice %arg2[%mul3A_163] : memref<6400000xf32, #tpu.memory_space<hbm>> -> memref<2048xf32, #tpu.memory_space<hbm>>
      %dma_start3A_195 = tpu.memref_slice %arg2[%mul3A_163] : memref<6400000xf32, #tpu.memory_space<hbm>> -> memref<2048xf32, #tpu.memory_space<hbm>>
      tpu.enqueue_dma source(%dma_start3A_195 : memref<2048xf32, #tpu.memory_space<hbm>>) target(%arg7 : memref<2048xf32, #tpu.memory_space<vmem>>) target_semaphore(%run_scoped3A : memref<!tpu.dma_semaphore, #tpu.memory_space<semaphore_mem>>)
      %dma_wait3A = tpu.memref_slice %arg2[%mul3A_163] : memref<6400000xf32, #tpu.memory_space<hbm>> -> memref<2048xf32, #tpu.memory_space<hbm>>
      %dma_wait3A_196 = tpu.memref_slice %arg2[%mul3A_163] : memref<6400000xf32, #tpu.memory_space<hbm>> -> memref<2048xf32, #tpu.memory_space<hbm>>
      tpu.wait_dma2 semaphore(%run_scoped3A : memref<!tpu.dma_semaphore, #tpu.memory_space<semaphore_mem>>) src(%dma_wait3A_196 : memref<2048xf32, #tpu.memory_space<hbm>>) dst(%arg7 : memref<2048xf32, #tpu.memory_space<vmem>>)
      tpu.yield
    }) : () -> ()
    %add3A_164 = arith.constant 0 : i32
    %add3A_165 = arith.addi %add3A_164, %mul3A_163 : i32
    "tpu.region"() ({
      %run_scoped3A = tpu.sem_alloc : memref<!tpu.dma_semaphore, #tpu.memory_space<semaphore_mem>>
      %dma_start3A = arith.constant 0 : i32
      %dma_start3A_195 = tpu.memref_slice %arg8[%dma_start3A] : memref<6144xf32, #tpu.memory_space<vmem>> -> memref<2048xf32, #tpu.memory_space<vmem>>
      %dma_start3A_196 = tpu.memref_slice %arg3[%add3A_165] : memref<19200000xf32, #tpu.memory_space<hbm>> -> memref<2048xf32, #tpu.memory_space<hbm>>
      %dma_start3A_197 = arith.constant 0 : i32
      %dma_start3A_198 = tpu.memref_slice %arg8[%dma_start3A_197] : memref<6144xf32, #tpu.memory_space<vmem>> -> memref<2048xf32, #tpu.memory_space<vmem>>
      %dma_start3A_199 = tpu.memref_slice %arg3[%add3A_165] : memref<19200000xf32, #tpu.memory_space<hbm>> -> memref<2048xf32, #tpu.memory_space<hbm>>
      tpu.enqueue_dma source(%dma_start3A_199 : memref<2048xf32, #tpu.memory_space<hbm>>) target(%dma_start3A_198 : memref<2048xf32, #tpu.memory_space<vmem>>) target_semaphore(%run_scoped3A : memref<!tpu.dma_semaphore, #tpu.memory_space<semaphore_mem>>)
      %dma_wait3A = arith.constant 0 : i32
      %dma_wait3A_200 = tpu.memref_slice %arg8[%dma_wait3A] : memref<6144xf32, #tpu.memory_space<vmem>> -> memref<2048xf32, #tpu.memory_space<vmem>>
      %dma_wait3A_201 = tpu.memref_slice %arg3[%add3A_165] : memref<19200000xf32, #tpu.memory_space<hbm>> -> memref<2048xf32, #tpu.memory_space<hbm>>
      %dma_wait3A_202 = arith.constant 0 : i32
      %dma_wait3A_203 = tpu.memref_slice %arg8[%dma_wait3A_202] : memref<6144xf32, #tpu.memory_space<vmem>> -> memref<2048xf32, #tpu.memory_space<vmem>>
      %dma_wait3A_204 = tpu.memref_slice %arg3[%add3A_165] : memref<19200000xf32, #tpu.memory_space<hbm>> -> memref<2048xf32, #tpu.memory_space<hbm>>
      tpu.wait_dma2 semaphore(%run_scoped3A : memref<!tpu.dma_semaphore, #tpu.memory_space<semaphore_mem>>) src(%dma_wait3A_204 : memref<2048xf32, #tpu.memory_space<hbm>>) dst(%dma_wait3A_203 : memref<2048xf32, #tpu.memory_space<vmem>>)
      tpu.yield
    }) : () -> ()
    %add3A_166 = arith.constant 6400000 : i32
    %add3A_167 = arith.addi %add3A_166, %mul3A_163 : i32
    "tpu.region"() ({
      %run_scoped3A = tpu.sem_alloc : memref<!tpu.dma_semaphore, #tpu.memory_space<semaphore_mem>>
      %dma_start3A = arith.constant 2048 : i32
      %dma_start3A_195 = tpu.memref_slice %arg8[%dma_start3A] : memref<6144xf32, #tpu.memory_space<vmem>> -> memref<2048xf32, #tpu.memory_space<vmem>>
      %dma_start3A_196 = tpu.memref_slice %arg3[%add3A_167] : memref<19200000xf32, #tpu.memory_space<hbm>> -> memref<2048xf32, #tpu.memory_space<hbm>>
      %dma_start3A_197 = arith.constant 2048 : i32
      %dma_start3A_198 = tpu.memref_slice %arg8[%dma_start3A_197] : memref<6144xf32, #tpu.memory_space<vmem>> -> memref<2048xf32, #tpu.memory_space<vmem>>
      %dma_start3A_199 = tpu.memref_slice %arg3[%add3A_167] : memref<19200000xf32, #tpu.memory_space<hbm>> -> memref<2048xf32, #tpu.memory_space<hbm>>
      tpu.enqueue_dma source(%dma_start3A_199 : memref<2048xf32, #tpu.memory_space<hbm>>) target(%dma_start3A_198 : memref<2048xf32, #tpu.memory_space<vmem>>) target_semaphore(%run_scoped3A : memref<!tpu.dma_semaphore, #tpu.memory_space<semaphore_mem>>)
      %dma_wait3A = arith.constant 2048 : i32
      %dma_wait3A_200 = tpu.memref_slice %arg8[%dma_wait3A] : memref<6144xf32, #tpu.memory_space<vmem>> -> memref<2048xf32, #tpu.memory_space<vmem>>
      %dma_wait3A_201 = tpu.memref_slice %arg3[%add3A_167] : memref<19200000xf32, #tpu.memory_space<hbm>> -> memref<2048xf32, #tpu.memory_space<hbm>>
      %dma_wait3A_202 = arith.constant 2048 : i32
      %dma_wait3A_203 = tpu.memref_slice %arg8[%dma_wait3A_202] : memref<6144xf32, #tpu.memory_space<vmem>> -> memref<2048xf32, #tpu.memory_space<vmem>>
      %dma_wait3A_204 = tpu.memref_slice %arg3[%add3A_167] : memref<19200000xf32, #tpu.memory_space<hbm>> -> memref<2048xf32, #tpu.memory_space<hbm>>
      tpu.wait_dma2 semaphore(%run_scoped3A : memref<!tpu.dma_semaphore, #tpu.memory_space<semaphore_mem>>) src(%dma_wait3A_204 : memref<2048xf32, #tpu.memory_space<hbm>>) dst(%dma_wait3A_203 : memref<2048xf32, #tpu.memory_space<vmem>>)
      tpu.yield
    }) : () -> ()
    %add3A_168 = arith.constant 12800000 : i32
    %add3A_169 = arith.addi %add3A_168, %mul3A_163 : i32
    "tpu.region"() ({
      %run_scoped3A = tpu.sem_alloc : memref<!tpu.dma_semaphore, #tpu.memory_space<semaphore_mem>>
      %dma_start3A = arith.constant 4096 : i32
      %dma_start3A_195 = tpu.memref_slice %arg8[%dma_start3A] : memref<6144xf32, #tpu.memory_space<vmem>> -> memref<2048xf32, #tpu.memory_space<vmem>>
      %dma_start3A_196 = tpu.memref_slice %arg3[%add3A_169] : memref<19200000xf32, #tpu.memory_space<hbm>> -> memref<2048xf32, #tpu.memory_space<hbm>>
      %dma_start3A_197 = arith.constant 4096 : i32
      %dma_start3A_198 = tpu.memref_slice %arg8[%dma_start3A_197] : memref<6144xf32, #tpu.memory_space<vmem>> -> memref<2048xf32, #tpu.memory_space<vmem>>
      %dma_start3A_199 = tpu.memref_slice %arg3[%add3A_169] : memref<19200000xf32, #tpu.memory_space<hbm>> -> memref<2048xf32, #tpu.memory_space<hbm>>
      tpu.enqueue_dma source(%dma_start3A_199 : memref<2048xf32, #tpu.memory_space<hbm>>) target(%dma_start3A_198 : memref<2048xf32, #tpu.memory_space<vmem>>) target_semaphore(%run_scoped3A : memref<!tpu.dma_semaphore, #tpu.memory_space<semaphore_mem>>)
      %dma_wait3A = arith.constant 4096 : i32
      %dma_wait3A_200 = tpu.memref_slice %arg8[%dma_wait3A] : memref<6144xf32, #tpu.memory_space<vmem>> -> memref<2048xf32, #tpu.memory_space<vmem>>
      %dma_wait3A_201 = tpu.memref_slice %arg3[%add3A_169] : memref<19200000xf32, #tpu.memory_space<hbm>> -> memref<2048xf32, #tpu.memory_space<hbm>>
      %dma_wait3A_202 = arith.constant 4096 : i32
      %dma_wait3A_203 = tpu.memref_slice %arg8[%dma_wait3A_202] : memref<6144xf32, #tpu.memory_space<vmem>> -> memref<2048xf32, #tpu.memory_space<vmem>>
      %dma_wait3A_204 = tpu.memref_slice %arg3[%add3A_169] : memref<19200000xf32, #tpu.memory_space<hbm>> -> memref<2048xf32, #tpu.memory_space<hbm>>
      tpu.wait_dma2 semaphore(%run_scoped3A : memref<!tpu.dma_semaphore, #tpu.memory_space<semaphore_mem>>) src(%dma_wait3A_204 : memref<2048xf32, #tpu.memory_space<hbm>>) dst(%dma_wait3A_203 : memref<2048xf32, #tpu.memory_space<vmem>>)
      tpu.yield
    }) : () -> ()
    %sub3A_170 = arith.constant 16 : i32
    %sub3A_171 = arith.subi %sub3A_170, %sub3A_161 : i32
    %sub3A_172 = arith.constant 1 : i32
    %sub3A_173 = arith.constant 1 : i32
    %sub3A_174 = arith.subi %sub3A_172, %sub3A_173 : i32
    %add3A_175 = arith.addi %sub3A_171, %sub3A_174 : i32
    %div3A_176 = arith.constant 1 : i32
    %div3A_177 = arith.divsi %add3A_175, %div3A_176 : i32
    %while3A = arith.constant 1 : i32
    %while3A_178 = arith.constant 0 : i32
    %while3A_179 = arith.subi %div3A_177, %while3A_178 : i32
    %while3A_180 = arith.addi %while3A_178, %while3A_179 : i32
    %while3A_181 = arith.constant 1 : i32
    %while3A_182 = arith.divsi %while3A_179, %while3A_181 : i32
    %while3A_183 = arith.muli %while3A_182, %while3A_181 : i32
    %while3A_184 = arith.addi %while3A_178, %while3A_183 : i32
    %while3A_185 = arith.constant 1 : i32
    scf.for %while3A_195 = %while3A_178 to %while3A_184 step %while3A_185  : i32 {
      %mul3A_196 = arith.muli %while3A_195, %while3A : i32
      %add3A_197 = arith.addi %sub3A_161, %mul3A_196 : i32
      %mul3A_198 = arith.constant 128 : i32
      %mul3A_199 = arith.muli %add3A_197, %mul3A_198 : i32
      %add3A_200 = arith.constant 0 : i32
      %add3A_201 = arith.addi %mul3A_199, %add3A_200 : i32
      %get3A = arith.index_cast %add3A_201 : i32 to index
      %get3A_202 = tpu.vector_load %arg7[%get3A] {strides = array<i32>} : memref<2048xf32, #tpu.memory_space<vmem>>, vector<16xf32>,
      %add3A_203 = vector.broadcast %add3A_201 : i32 to vector<16xi32>
      %add3A_204 = arith.addi %iota3A, %add3A_203 : vector<16xi32>
      %add3A_205 = arith.constant 0 : i32
      %add3A_206 = arith.addi %add3A_205, %add3A_201 : i32
      %get3A_207 = arith.index_cast %add3A_206 : i32 to index
      %get3A_208 = tpu.vector_load %arg8[%get3A_207] {strides = array<i32>} : memref<6144xf32, #tpu.memory_space<vmem>>, vector<16xf32>,
      %broadcast_in_dim3A_209 = arith.constant 0 : i32
      %broadcast_in_dim3A_210 = vector.broadcast %broadcast_in_dim3A_209 : i32 to vector<16xi32>
      %mul3A_211 = arith.mulf %get3A_202, %get3A_208 : vector<16xf32>
      tpu.vector_store_idx %arg9[%add3A_204, %broadcast_in_dim3A_210], %mul3A_211 : memref<2048x8xf32, #tpu.memory_space<vmem>>[vector<16xi32>, vector<16xi32>], vector<16xf32>,
      %add3A_212 = arith.constant 2048 : i32
      %add3A_213 = arith.addi %add3A_212, %add3A_201 : i32
      %get3A_214 = arith.index_cast %add3A_213 : i32 to index
      %get3A_215 = tpu.vector_load %arg8[%get3A_214] {strides = array<i32>} : memref<6144xf32, #tpu.memory_space<vmem>>, vector<16xf32>,
      %broadcast_in_dim3A_216 = arith.constant 1 : i32
      %broadcast_in_dim3A_217 = vector.broadcast %broadcast_in_dim3A_216 : i32 to vector<16xi32>
      %mul3A_218 = arith.mulf %get3A_202, %get3A_215 : vector<16xf32>
      tpu.vector_store_idx %arg9[%add3A_204, %broadcast_in_dim3A_217], %mul3A_218 : memref<2048x8xf32, #tpu.memory_space<vmem>>[vector<16xi32>, vector<16xi32>], vector<16xf32>,
      %add3A_219 = arith.constant 4096 : i32
      %add3A_220 = arith.addi %add3A_219, %add3A_201 : i32
      %get3A_221 = arith.index_cast %add3A_220 : i32 to index
      %get3A_222 = tpu.vector_load %arg8[%get3A_221] {strides = array<i32>} : memref<6144xf32, #tpu.memory_space<vmem>>, vector<16xf32>,
      %broadcast_in_dim3A_223 = arith.constant 2 : i32
      %broadcast_in_dim3A_224 = vector.broadcast %broadcast_in_dim3A_223 : i32 to vector<16xi32>
      %mul3A_225 = arith.mulf %get3A_202, %get3A_222 : vector<16xf32>
      tpu.vector_store_idx %arg9[%add3A_204, %broadcast_in_dim3A_224], %mul3A_225 : memref<2048x8xf32, #tpu.memory_space<vmem>>[vector<16xi32>, vector<16xi32>], vector<16xf32>,
      %add3A_226 = arith.constant 16 : i32
      %add3A_227 = arith.addi %mul3A_199, %add3A_226 : i32
      %get3A_228 = arith.index_cast %add3A_227 : i32 to index
      %get3A_229 = tpu.vector_load %arg7[%get3A_228] {strides = array<i32>} : memref<2048xf32, #tpu.memory_space<vmem>>, vector<16xf32>,
      %add3A_230 = vector.broadcast %add3A_227 : i32 to vector<16xi32>
      %add3A_231 = arith.addi %iota3A, %add3A_230 : vector<16xi32>
      %add3A_232 = arith.constant 0 : i32
      %add3A_233 = arith.addi %add3A_232, %add3A_227 : i32
      %get3A_234 = arith.index_cast %add3A_233 : i32 to index
      %get3A_235 = tpu.vector_load %arg8[%get3A_234] {strides = array<i32>} : memref<6144xf32, #tpu.memory_space<vmem>>, vector<16xf32>,
      %broadcast_in_dim3A_236 = arith.constant 0 : i32
      %broadcast_in_dim3A_237 = vector.broadcast %broadcast_in_dim3A_236 : i32 to vector<16xi32>
      %mul3A_238 = arith.mulf %get3A_229, %get3A_235 : vector<16xf32>
      tpu.vector_store_idx %arg9[%add3A_231, %broadcast_in_dim3A_237], %mul3A_238 : memref<2048x8xf32, #tpu.memory_space<vmem>>[vector<16xi32>, vector<16xi32>], vector<16xf32>,
      %add3A_239 = arith.constant 2048 : i32
      %add3A_240 = arith.addi %add3A_239, %add3A_227 : i32
      %get3A_241 = arith.index_cast %add3A_240 : i32 to index
      %get3A_242 = tpu.vector_load %arg8[%get3A_241] {strides = array<i32>} : memref<6144xf32, #tpu.memory_space<vmem>>, vector<16xf32>,
      %broadcast_in_dim3A_243 = arith.constant 1 : i32
      %broadcast_in_dim3A_244 = vector.broadcast %broadcast_in_dim3A_243 : i32 to vector<16xi32>
      %mul3A_245 = arith.mulf %get3A_229, %get3A_242 : vector<16xf32>
      tpu.vector_store_idx %arg9[%add3A_231, %broadcast_in_dim3A_244], %mul3A_245 : memref<2048x8xf32, #tpu.memory_space<vmem>>[vector<16xi32>, vector<16xi32>], vector<16xf32>,
      %add3A_246 = arith.constant 4096 : i32
      %add3A_247 = arith.addi %add3A_246, %add3A_227 : i32
      %get3A_248 = arith.index_cast %add3A_247 : i32 to index
      %get3A_249 = tpu.vector_load %arg8[%get3A_248] {strides = array<i32>} : memref<6144xf32, #tpu.memory_space<vmem>>, vector<16xf32>,
      %broadcast_in_dim3A_250 = arith.constant 2 : i32
      %broadcast_in_dim3A_251 = vector.broadcast %broadcast_in_dim3A_250 : i32 to vector<16xi32>
      %mul3A_252 = arith.mulf %get3A_229, %get3A_249 : vector<16xf32>
      tpu.vector_store_idx %arg9[%add3A_231, %broadcast_in_dim3A_251], %mul3A_252 : memref<2048x8xf32, #tpu.memory_space<vmem>>[vector<16xi32>, vector<16xi32>], vector<16xf32>,
      %add3A_253 = arith.constant 32 : i32
      %add3A_254 = arith.addi %mul3A_199, %add3A_253 : i32
      %get3A_255 = arith.index_cast %add3A_254 : i32 to index
      %get3A_256 = tpu.vector_load %arg7[%get3A_255] {strides = array<i32>} : memref<2048xf32, #tpu.memory_space<vmem>>, vector<16xf32>,
      %add3A_257 = vector.broadcast %add3A_254 : i32 to vector<16xi32>
      %add3A_258 = arith.addi %iota3A, %add3A_257 : vector<16xi32>
      %add3A_259 = arith.constant 0 : i32
      %add3A_260 = arith.addi %add3A_259, %add3A_254 : i32
      %get3A_261 = arith.index_cast %add3A_260 : i32 to index
      %get3A_262 = tpu.vector_load %arg8[%get3A_261] {strides = array<i32>} : memref<6144xf32, #tpu.memory_space<vmem>>, vector<16xf32>,
      %broadcast_in_dim3A_263 = arith.constant 0 : i32
      %broadcast_in_dim3A_264 = vector.broadcast %broadcast_in_dim3A_263 : i32 to vector<16xi32>
      %mul3A_265 = arith.mulf %get3A_256, %get3A_262 : vector<16xf32>
      tpu.vector_store_idx %arg9[%add3A_258, %broadcast_in_dim3A_264], %mul3A_265 : memref<2048x8xf32, #tpu.memory_space<vmem>>[vector<16xi32>, vector<16xi32>], vector<16xf32>,
      %add3A_266 = arith.constant 2048 : i32
      %add3A_267 = arith.addi %add3A_266, %add3A_254 : i32
      %get3A_268 = arith.index_cast %add3A_267 : i32 to index
      %get3A_269 = tpu.vector_load %arg8[%get3A_268] {strides = array<i32>} : memref<6144xf32, #tpu.memory_space<vmem>>, vector<16xf32>,
      %broadcast_in_dim3A_270 = arith.constant 1 : i32
      %broadcast_in_dim3A_271 = vector.broadcast %broadcast_in_dim3A_270 : i32 to vector<16xi32>
      %mul3A_272 = arith.mulf %get3A_256, %get3A_269 : vector<16xf32>
      tpu.vector_store_idx %arg9[%add3A_258, %broadcast_in_dim3A_271], %mul3A_272 : memref<2048x8xf32, #tpu.memory_space<vmem>>[vector<16xi32>, vector<16xi32>], vector<16xf32>,
      %add3A_273 = arith.constant 4096 : i32
      %add3A_274 = arith.addi %add3A_273, %add3A_254 : i32
      %get3A_275 = arith.index_cast %add3A_274 : i32 to index
      %get3A_276 = tpu.vector_load %arg8[%get3A_275] {strides = array<i32>} : memref<6144xf32, #tpu.memory_space<vmem>>, vector<16xf32>,
      %broadcast_in_dim3A_277 = arith.constant 2 : i32
      %broadcast_in_dim3A_278 = vector.broadcast %broadcast_in_dim3A_277 : i32 to vector<16xi32>
      %mul3A_279 = arith.mulf %get3A_256, %get3A_276 : vector<16xf32>
      tpu.vector_store_idx %arg9[%add3A_258, %broadcast_in_dim3A_278], %mul3A_279 : memref<2048x8xf32, #tpu.memory_space<vmem>>[vector<16xi32>, vector<16xi32>], vector<16xf32>,
      %add3A_280 = arith.constant 48 : i32
      %add3A_281 = arith.addi %mul3A_199, %add3A_280 : i32
      %get3A_282 = arith.index_cast %add3A_281 : i32 to index
      %get3A_283 = tpu.vector_load %arg7[%get3A_282] {strides = array<i32>} : memref<2048xf32, #tpu.memory_space<vmem>>, vector<16xf32>,
      %add3A_284 = vector.broadcast %add3A_281 : i32 to vector<16xi32>
      %add3A_285 = arith.addi %iota3A, %add3A_284 : vector<16xi32>
      %add3A_286 = arith.constant 0 : i32
      %add3A_287 = arith.addi %add3A_286, %add3A_281 : i32
      %get3A_288 = arith.index_cast %add3A_287 : i32 to index
      %get3A_289 = tpu.vector_load %arg8[%get3A_288] {strides = array<i32>} : memref<6144xf32, #tpu.memory_space<vmem>>, vector<16xf32>,
      %broadcast_in_dim3A_290 = arith.constant 0 : i32
      %broadcast_in_dim3A_291 = vector.broadcast %broadcast_in_dim3A_290 : i32 to vector<16xi32>
      %mul3A_292 = arith.mulf %get3A_283, %get3A_289 : vector<16xf32>
      tpu.vector_store_idx %arg9[%add3A_285, %broadcast_in_dim3A_291], %mul3A_292 : memref<2048x8xf32, #tpu.memory_space<vmem>>[vector<16xi32>, vector<16xi32>], vector<16xf32>,
      %add3A_293 = arith.constant 2048 : i32
      %add3A_294 = arith.addi %add3A_293, %add3A_281 : i32
      %get3A_295 = arith.index_cast %add3A_294 : i32 to index
      %get3A_296 = tpu.vector_load %arg8[%get3A_295] {strides = array<i32>} : memref<6144xf32, #tpu.memory_space<vmem>>, vector<16xf32>,
      %broadcast_in_dim3A_297 = arith.constant 1 : i32
      %broadcast_in_dim3A_298 = vector.broadcast %broadcast_in_dim3A_297 : i32 to vector<16xi32>
      %mul3A_299 = arith.mulf %get3A_283, %get3A_296 : vector<16xf32>
      tpu.vector_store_idx %arg9[%add3A_285, %broadcast_in_dim3A_298], %mul3A_299 : memref<2048x8xf32, #tpu.memory_space<vmem>>[vector<16xi32>, vector<16xi32>], vector<16xf32>,
      %add3A_300 = arith.constant 4096 : i32
      %add3A_301 = arith.addi %add3A_300, %add3A_281 : i32
      %get3A_302 = arith.index_cast %add3A_301 : i32 to index
      %get3A_303 = tpu.vector_load %arg8[%get3A_302] {strides = array<i32>} : memref<6144xf32, #tpu.memory_space<vmem>>, vector<16xf32>,
      %broadcast_in_dim3A_304 = arith.constant 2 : i32
      %broadcast_in_dim3A_305 = vector.broadcast %broadcast_in_dim3A_304 : i32 to vector<16xi32>
      %mul3A_306 = arith.mulf %get3A_283, %get3A_303 : vector<16xf32>
      tpu.vector_store_idx %arg9[%add3A_285, %broadcast_in_dim3A_305], %mul3A_306 : memref<2048x8xf32, #tpu.memory_space<vmem>>[vector<16xi32>, vector<16xi32>], vector<16xf32>,
      %add3A_307 = arith.constant 64 : i32
      %add3A_308 = arith.addi %mul3A_199, %add3A_307 : i32
      %get3A_309 = arith.index_cast %add3A_308 : i32 to index
      %get3A_310 = tpu.vector_load %arg7[%get3A_309] {strides = array<i32>} : memref<2048xf32, #tpu.memory_space<vmem>>, vector<16xf32>,
      %add3A_311 = vector.broadcast %add3A_308 : i32 to vector<16xi32>
      %add3A_312 = arith.addi %iota3A, %add3A_311 : vector<16xi32>
      %add3A_313 = arith.constant 0 : i32
      %add3A_314 = arith.addi %add3A_313, %add3A_308 : i32
      %get3A_315 = arith.index_cast %add3A_314 : i32 to index
      %get3A_316 = tpu.vector_load %arg8[%get3A_315] {strides = array<i32>} : memref<6144xf32, #tpu.memory_space<vmem>>, vector<16xf32>,
      %broadcast_in_dim3A_317 = arith.constant 0 : i32
      %broadcast_in_dim3A_318 = vector.broadcast %broadcast_in_dim3A_317 : i32 to vector<16xi32>
      %mul3A_319 = arith.mulf %get3A_310, %get3A_316 : vector<16xf32>
      tpu.vector_store_idx %arg9[%add3A_312, %broadcast_in_dim3A_318], %mul3A_319 : memref<2048x8xf32, #tpu.memory_space<vmem>>[vector<16xi32>, vector<16xi32>], vector<16xf32>,
      %add3A_320 = arith.constant 2048 : i32
      %add3A_321 = arith.addi %add3A_320, %add3A_308 : i32
      %get3A_322 = arith.index_cast %add3A_321 : i32 to index
      %get3A_323 = tpu.vector_load %arg8[%get3A_322] {strides = array<i32>} : memref<6144xf32, #tpu.memory_space<vmem>>, vector<16xf32>,
      %broadcast_in_dim3A_324 = arith.constant 1 : i32
      %broadcast_in_dim3A_325 = vector.broadcast %broadcast_in_dim3A_324 : i32 to vector<16xi32>
      %mul3A_326 = arith.mulf %get3A_310, %get3A_323 : vector<16xf32>
      tpu.vector_store_idx %arg9[%add3A_312, %broadcast_in_dim3A_325], %mul3A_326 : memref<2048x8xf32, #tpu.memory_space<vmem>>[vector<16xi32>, vector<16xi32>], vector<16xf32>,
      %add3A_327 = arith.constant 4096 : i32
      %add3A_328 = arith.addi %add3A_327, %add3A_308 : i32
      %get3A_329 = arith.index_cast %add3A_328 : i32 to index
      %get3A_330 = tpu.vector_load %arg8[%get3A_329] {strides = array<i32>} : memref<6144xf32, #tpu.memory_space<vmem>>, vector<16xf32>,
      %broadcast_in_dim3A_331 = arith.constant 2 : i32
      %broadcast_in_dim3A_332 = vector.broadcast %broadcast_in_dim3A_331 : i32 to vector<16xi32>
      %mul3A_333 = arith.mulf %get3A_310, %get3A_330 : vector<16xf32>
      tpu.vector_store_idx %arg9[%add3A_312, %broadcast_in_dim3A_332], %mul3A_333 : memref<2048x8xf32, #tpu.memory_space<vmem>>[vector<16xi32>, vector<16xi32>], vector<16xf32>,
      %add3A_334 = arith.constant 80 : i32
      %add3A_335 = arith.addi %mul3A_199, %add3A_334 : i32
      %get3A_336 = arith.index_cast %add3A_335 : i32 to index
      %get3A_337 = tpu.vector_load %arg7[%get3A_336] {strides = array<i32>} : memref<2048xf32, #tpu.memory_space<vmem>>, vector<16xf32>,
      %add3A_338 = vector.broadcast %add3A_335 : i32 to vector<16xi32>
      %add3A_339 = arith.addi %iota3A, %add3A_338 : vector<16xi32>
      %add3A_340 = arith.constant 0 : i32
      %add3A_341 = arith.addi %add3A_340, %add3A_335 : i32
      %get3A_342 = arith.index_cast %add3A_341 : i32 to index
      %get3A_343 = tpu.vector_load %arg8[%get3A_342] {strides = array<i32>} : memref<6144xf32, #tpu.memory_space<vmem>>, vector<16xf32>,
      %broadcast_in_dim3A_344 = arith.constant 0 : i32
      %broadcast_in_dim3A_345 = vector.broadcast %broadcast_in_dim3A_344 : i32 to vector<16xi32>
      %mul3A_346 = arith.mulf %get3A_337, %get3A_343 : vector<16xf32>
      tpu.vector_store_idx %arg9[%add3A_339, %broadcast_in_dim3A_345], %mul3A_346 : memref<2048x8xf32, #tpu.memory_space<vmem>>[vector<16xi32>, vector<16xi32>], vector<16xf32>,
      %add3A_347 = arith.constant 2048 : i32
      %add3A_348 = arith.addi %add3A_347, %add3A_335 : i32
      %get3A_349 = arith.index_cast %add3A_348 : i32 to index
      %get3A_350 = tpu.vector_load %arg8[%get3A_349] {strides = array<i32>} : memref<6144xf32, #tpu.memory_space<vmem>>, vector<16xf32>,
      %broadcast_in_dim3A_351 = arith.constant 1 : i32
      %broadcast_in_dim3A_352 = vector.broadcast %broadcast_in_dim3A_351 : i32 to vector<16xi32>
      %mul3A_353 = arith.mulf %get3A_337, %get3A_350 : vector<16xf32>
      tpu.vector_store_idx %arg9[%add3A_339, %broadcast_in_dim3A_352], %mul3A_353 : memref<2048x8xf32, #tpu.memory_space<vmem>>[vector<16xi32>, vector<16xi32>], vector<16xf32>,
      %add3A_354 = arith.constant 4096 : i32
      %add3A_355 = arith.addi %add3A_354, %add3A_335 : i32
      %get3A_356 = arith.index_cast %add3A_355 : i32 to index
      %get3A_357 = tpu.vector_load %arg8[%get3A_356] {strides = array<i32>} : memref<6144xf32, #tpu.memory_space<vmem>>, vector<16xf32>,
      %broadcast_in_dim3A_358 = arith.constant 2 : i32
      %broadcast_in_dim3A_359 = vector.broadcast %broadcast_in_dim3A_358 : i32 to vector<16xi32>
      %mul3A_360 = arith.mulf %get3A_337, %get3A_357 : vector<16xf32>
      tpu.vector_store_idx %arg9[%add3A_339, %broadcast_in_dim3A_359], %mul3A_360 : memref<2048x8xf32, #tpu.memory_space<vmem>>[vector<16xi32>, vector<16xi32>], vector<16xf32>,
      %add3A_361 = arith.constant 96 : i32
      %add3A_362 = arith.addi %mul3A_199, %add3A_361 : i32
      %get3A_363 = arith.index_cast %add3A_362 : i32 to index
      %get3A_364 = tpu.vector_load %arg7[%get3A_363] {strides = array<i32>} : memref<2048xf32, #tpu.memory_space<vmem>>, vector<16xf32>,
      %add3A_365 = vector.broadcast %add3A_362 : i32 to vector<16xi32>
      %add3A_366 = arith.addi %iota3A, %add3A_365 : vector<16xi32>
      %add3A_367 = arith.constant 0 : i32
      %add3A_368 = arith.addi %add3A_367, %add3A_362 : i32
      %get3A_369 = arith.index_cast %add3A_368 : i32 to index
      %get3A_370 = tpu.vector_load %arg8[%get3A_369] {strides = array<i32>} : memref<6144xf32, #tpu.memory_space<vmem>>, vector<16xf32>,
      %broadcast_in_dim3A_371 = arith.constant 0 : i32
      %broadcast_in_dim3A_372 = vector.broadcast %broadcast_in_dim3A_371 : i32 to vector<16xi32>
      %mul3A_373 = arith.mulf %get3A_364, %get3A_370 : vector<16xf32>
      tpu.vector_store_idx %arg9[%add3A_366, %broadcast_in_dim3A_372], %mul3A_373 : memref<2048x8xf32, #tpu.memory_space<vmem>>[vector<16xi32>, vector<16xi32>], vector<16xf32>,
      %add3A_374 = arith.constant 2048 : i32
      %add3A_375 = arith.addi %add3A_374, %add3A_362 : i32
      %get3A_376 = arith.index_cast %add3A_375 : i32 to index
      %get3A_377 = tpu.vector_load %arg8[%get3A_376] {strides = array<i32>} : memref<6144xf32, #tpu.memory_space<vmem>>, vector<16xf32>,
      %broadcast_in_dim3A_378 = arith.constant 1 : i32
      %broadcast_in_dim3A_379 = vector.broadcast %broadcast_in_dim3A_378 : i32 to vector<16xi32>
      %mul3A_380 = arith.mulf %get3A_364, %get3A_377 : vector<16xf32>
      tpu.vector_store_idx %arg9[%add3A_366, %broadcast_in_dim3A_379], %mul3A_380 : memref<2048x8xf32, #tpu.memory_space<vmem>>[vector<16xi32>, vector<16xi32>], vector<16xf32>,
      %add3A_381 = arith.constant 4096 : i32
      %add3A_382 = arith.addi %add3A_381, %add3A_362 : i32
      %get3A_383 = arith.index_cast %add3A_382 : i32 to index
      %get3A_384 = tpu.vector_load %arg8[%get3A_383] {strides = array<i32>} : memref<6144xf32, #tpu.memory_space<vmem>>, vector<16xf32>,
      %broadcast_in_dim3A_385 = arith.constant 2 : i32
      %broadcast_in_dim3A_386 = vector.broadcast %broadcast_in_dim3A_385 : i32 to vector<16xi32>
      %mul3A_387 = arith.mulf %get3A_364, %get3A_384 : vector<16xf32>
      tpu.vector_store_idx %arg9[%add3A_366, %broadcast_in_dim3A_386], %mul3A_387 : memref<2048x8xf32, #tpu.memory_space<vmem>>[vector<16xi32>, vector<16xi32>], vector<16xf32>,
      %add3A_388 = arith.constant 112 : i32
      %add3A_389 = arith.addi %mul3A_199, %add3A_388 : i32
      %get3A_390 = arith.index_cast %add3A_389 : i32 to index
      %get3A_391 = tpu.vector_load %arg7[%get3A_390] {strides = array<i32>} : memref<2048xf32, #tpu.memory_space<vmem>>, vector<16xf32>,
      %add3A_392 = vector.broadcast %add3A_389 : i32 to vector<16xi32>
      %add3A_393 = arith.addi %iota3A, %add3A_392 : vector<16xi32>
      %add3A_394 = arith.constant 0 : i32
      %add3A_395 = arith.addi %add3A_394, %add3A_389 : i32
      %get3A_396 = arith.index_cast %add3A_395 : i32 to index
      %get3A_397 = tpu.vector_load %arg8[%get3A_396] {strides = array<i32>} : memref<6144xf32, #tpu.memory_space<vmem>>, vector<16xf32>,
      %broadcast_in_dim3A_398 = arith.constant 0 : i32
      %broadcast_in_dim3A_399 = vector.broadcast %broadcast_in_dim3A_398 : i32 to vector<16xi32>
      %mul3A_400 = arith.mulf %get3A_391, %get3A_397 : vector<16xf32>
      tpu.vector_store_idx %arg9[%add3A_393, %broadcast_in_dim3A_399], %mul3A_400 : memref<2048x8xf32, #tpu.memory_space<vmem>>[vector<16xi32>, vector<16xi32>], vector<16xf32>,
      %add3A_401 = arith.constant 2048 : i32
      %add3A_402 = arith.addi %add3A_401, %add3A_389 : i32
      %get3A_403 = arith.index_cast %add3A_402 : i32 to index
      %get3A_404 = tpu.vector_load %arg8[%get3A_403] {strides = array<i32>} : memref<6144xf32, #tpu.memory_space<vmem>>, vector<16xf32>,
      %broadcast_in_dim3A_405 = arith.constant 1 : i32
      %broadcast_in_dim3A_406 = vector.broadcast %broadcast_in_dim3A_405 : i32 to vector<16xi32>
      %mul3A_407 = arith.mulf %get3A_391, %get3A_404 : vector<16xf32>
      tpu.vector_store_idx %arg9[%add3A_393, %broadcast_in_dim3A_406], %mul3A_407 : memref<2048x8xf32, #tpu.memory_space<vmem>>[vector<16xi32>, vector<16xi32>], vector<16xf32>,
      %add3A_408 = arith.constant 4096 : i32
      %add3A_409 = arith.addi %add3A_408, %add3A_389 : i32
      %get3A_410 = arith.index_cast %add3A_409 : i32 to index
      %get3A_411 = tpu.vector_load %arg8[%get3A_410] {strides = array<i32>} : memref<6144xf32, #tpu.memory_space<vmem>>, vector<16xf32>,
      %broadcast_in_dim3A_412 = arith.constant 2 : i32
      %broadcast_in_dim3A_413 = vector.broadcast %broadcast_in_dim3A_412 : i32 to vector<16xi32>
      %mul3A_414 = arith.mulf %get3A_391, %get3A_411 : vector<16xf32>
      tpu.vector_store_idx %arg9[%add3A_393, %broadcast_in_dim3A_413], %mul3A_414 : memref<2048x8xf32, #tpu.memory_space<vmem>>[vector<16xi32>, vector<16xi32>], vector<16xf32>,
      "tpu.region"() ({
        %run_scoped3A = tpu.sem_alloc : memref<!tpu.dma_semaphore, #tpu.memory_space<semaphore_mem>>
        %dma_start3A = arith.constant 0 : i32
        %dma_start3A_415 = tpu.memref_slice %arg9[%mul3A_199, %dma_start3A] : memref<2048x8xf32, #tpu.memory_space<vmem>> -> memref<128x8xf32, #tpu.memory_space<vmem>>
        %dma_start3A_416 = arith.constant 0 : i32
        %dma_start3A_417 = tpu.memref_slice %arg6[%add3A_197, %dma_start3A_416] : memref<16x128xi32, #tpu.memory_space<vmem>> -> memref<1x128xi32, #tpu.memory_space<vmem>>
        %dma_start3A_418 = tpu.memref_squeeze %dma_start3A_417 : memref<1x128xi32, #tpu.memory_space<vmem>> -> memref<128xi32, #tpu.memory_space<vmem>>
        %dma_start3A_419 = arith.constant 0 : i32
        %dma_start3A_420 = arith.constant 0 : i32
        %dma_start3A_421 = tpu.memref_slice %arg11[%dma_start3A_419, %dma_start3A_420] : memref<100352x8xf32, #tpu.memory_space<vmem_shared>> -> memref<100352x8xf32, #tpu.memory_space<vmem_shared>>
        tpu.enqueue_indirect_dma source(%dma_start3A_415 : memref<128x8xf32, #tpu.memory_space<vmem>>) target(%dma_start3A_421 : memref<100352x8xf32, #tpu.memory_space<vmem_shared>>) offsets(%dma_start3A_418 : memref<128xi32, #tpu.memory_space<vmem>>) semaphore(%run_scoped3A : memref<!tpu.dma_semaphore, #tpu.memory_space<semaphore_mem>>) {add = true}
        %dma_wait3A = arith.constant 0 : i32
        %dma_wait3A_422 = tpu.memref_slice %arg9[%mul3A_199, %dma_wait3A] : memref<2048x8xf32, #tpu.memory_space<vmem>> -> memref<128x8xf32, #tpu.memory_space<vmem>>
        %dma_wait3A_423 = arith.constant 0 : i32
        %dma_wait3A_424 = tpu.memref_slice %arg6[%add3A_197, %dma_wait3A_423] : memref<16x128xi32, #tpu.memory_space<vmem>> -> memref<1x128xi32, #tpu.memory_space<vmem>>
        %dma_wait3A_425 = tpu.memref_squeeze %dma_wait3A_424 : memref<1x128xi32, #tpu.memory_space<vmem>> -> memref<128xi32, #tpu.memory_space<vmem>>
        %dma_wait3A_426 = arith.constant 0 : i32
        %dma_wait3A_427 = arith.constant 0 : i32
        %dma_wait3A_428 = tpu.memref_slice %arg11[%dma_wait3A_426, %dma_wait3A_427] : memref<100352x8xf32, #tpu.memory_space<vmem_shared>> -> memref<100352x8xf32, #tpu.memory_space<vmem_shared>>
        tpu.wait_indirect_dma semaphore(%run_scoped3A : memref<!tpu.dma_semaphore, #tpu.memory_space<semaphore_mem>>) src(%dma_wait3A_422 : memref<128x8xf32, #tpu.memory_space<vmem>>) dst(%dma_wait3A_428 : memref<100352x8xf32, #tpu.memory_space<vmem_shared>>)
        tpu.yield
      }) : () -> ()
    }
    %while3A_186 = arith.constant 1 : i32
    scf.for %while3A_195 = %while3A_184 to %while3A_180 step %while3A_186  : i32 {
      %mul3A_196 = arith.muli %while3A_195, %while3A : i32
      %add3A_197 = arith.addi %sub3A_161, %mul3A_196 : i32
      %mul3A_198 = arith.constant 128 : i32
      %mul3A_199 = arith.muli %add3A_197, %mul3A_198 : i32
      %add3A_200 = arith.constant 0 : i32
      %add3A_201 = arith.addi %mul3A_199, %add3A_200 : i32
      %get3A = arith.index_cast %add3A_201 : i32 to index
      %get3A_202 = tpu.vector_load %arg7[%get3A] {strides = array<i32>} : memref<2048xf32, #tpu.memory_space<vmem>>, vector<16xf32>,
      %add3A_203 = vector.broadcast %add3A_201 : i32 to vector<16xi32>
      %add3A_204 = arith.addi %iota3A, %add3A_203 : vector<16xi32>
      %add3A_205 = arith.constant 0 : i32
      %add3A_206 = arith.addi %add3A_205, %add3A_201 : i32
      %get3A_207 = arith.index_cast %add3A_206 : i32 to index
      %get3A_208 = tpu.vector_load %arg8[%get3A_207] {strides = array<i32>} : memref<6144xf32, #tpu.memory_space<vmem>>, vector<16xf32>,
      %broadcast_in_dim3A_209 = arith.constant 0 : i32
      %broadcast_in_dim3A_210 = vector.broadcast %broadcast_in_dim3A_209 : i32 to vector<16xi32>
      %mul3A_211 = arith.mulf %get3A_202, %get3A_208 : vector<16xf32>
      tpu.vector_store_idx %arg9[%add3A_204, %broadcast_in_dim3A_210], %mul3A_211 : memref<2048x8xf32, #tpu.memory_space<vmem>>[vector<16xi32>, vector<16xi32>], vector<16xf32>,
      %add3A_212 = arith.constant 2048 : i32
      %add3A_213 = arith.addi %add3A_212, %add3A_201 : i32
      %get3A_214 = arith.index_cast %add3A_213 : i32 to index
      %get3A_215 = tpu.vector_load %arg8[%get3A_214] {strides = array<i32>} : memref<6144xf32, #tpu.memory_space<vmem>>, vector<16xf32>,
      %broadcast_in_dim3A_216 = arith.constant 1 : i32
      %broadcast_in_dim3A_217 = vector.broadcast %broadcast_in_dim3A_216 : i32 to vector<16xi32>
      %mul3A_218 = arith.mulf %get3A_202, %get3A_215 : vector<16xf32>
      tpu.vector_store_idx %arg9[%add3A_204, %broadcast_in_dim3A_217], %mul3A_218 : memref<2048x8xf32, #tpu.memory_space<vmem>>[vector<16xi32>, vector<16xi32>], vector<16xf32>,
      %add3A_219 = arith.constant 4096 : i32
      %add3A_220 = arith.addi %add3A_219, %add3A_201 : i32
      %get3A_221 = arith.index_cast %add3A_220 : i32 to index
      %get3A_222 = tpu.vector_load %arg8[%get3A_221] {strides = array<i32>} : memref<6144xf32, #tpu.memory_space<vmem>>, vector<16xf32>,
      %broadcast_in_dim3A_223 = arith.constant 2 : i32
      %broadcast_in_dim3A_224 = vector.broadcast %broadcast_in_dim3A_223 : i32 to vector<16xi32>
      %mul3A_225 = arith.mulf %get3A_202, %get3A_222 : vector<16xf32>
      tpu.vector_store_idx %arg9[%add3A_204, %broadcast_in_dim3A_224], %mul3A_225 : memref<2048x8xf32, #tpu.memory_space<vmem>>[vector<16xi32>, vector<16xi32>], vector<16xf32>,
      %add3A_226 = arith.constant 16 : i32
      %add3A_227 = arith.addi %mul3A_199, %add3A_226 : i32
      %get3A_228 = arith.index_cast %add3A_227 : i32 to index
      %get3A_229 = tpu.vector_load %arg7[%get3A_228] {strides = array<i32>} : memref<2048xf32, #tpu.memory_space<vmem>>, vector<16xf32>,
      %add3A_230 = vector.broadcast %add3A_227 : i32 to vector<16xi32>
      %add3A_231 = arith.addi %iota3A, %add3A_230 : vector<16xi32>
      %add3A_232 = arith.constant 0 : i32
      %add3A_233 = arith.addi %add3A_232, %add3A_227 : i32
      %get3A_234 = arith.index_cast %add3A_233 : i32 to index
      %get3A_235 = tpu.vector_load %arg8[%get3A_234] {strides = array<i32>} : memref<6144xf32, #tpu.memory_space<vmem>>, vector<16xf32>,
      %broadcast_in_dim3A_236 = arith.constant 0 : i32
      %broadcast_in_dim3A_237 = vector.broadcast %broadcast_in_dim3A_236 : i32 to vector<16xi32>
      %mul3A_238 = arith.mulf %get3A_229, %get3A_235 : vector<16xf32>
      tpu.vector_store_idx %arg9[%add3A_231, %broadcast_in_dim3A_237], %mul3A_238 : memref<2048x8xf32, #tpu.memory_space<vmem>>[vector<16xi32>, vector<16xi32>], vector<16xf32>,
      %add3A_239 = arith.constant 2048 : i32
      %add3A_240 = arith.addi %add3A_239, %add3A_227 : i32
      %get3A_241 = arith.index_cast %add3A_240 : i32 to index
      %get3A_242 = tpu.vector_load %arg8[%get3A_241] {strides = array<i32>} : memref<6144xf32, #tpu.memory_space<vmem>>, vector<16xf32>,
      %broadcast_in_dim3A_243 = arith.constant 1 : i32
      %broadcast_in_dim3A_244 = vector.broadcast %broadcast_in_dim3A_243 : i32 to vector<16xi32>
      %mul3A_245 = arith.mulf %get3A_229, %get3A_242 : vector<16xf32>
      tpu.vector_store_idx %arg9[%add3A_231, %broadcast_in_dim3A_244], %mul3A_245 : memref<2048x8xf32, #tpu.memory_space<vmem>>[vector<16xi32>, vector<16xi32>], vector<16xf32>,
      %add3A_246 = arith.constant 4096 : i32
      %add3A_247 = arith.addi %add3A_246, %add3A_227 : i32
      %get3A_248 = arith.index_cast %add3A_247 : i32 to index
      %get3A_249 = tpu.vector_load %arg8[%get3A_248] {strides = array<i32>} : memref<6144xf32, #tpu.memory_space<vmem>>, vector<16xf32>,
      %broadcast_in_dim3A_250 = arith.constant 2 : i32
      %broadcast_in_dim3A_251 = vector.broadcast %broadcast_in_dim3A_250 : i32 to vector<16xi32>
      %mul3A_252 = arith.mulf %get3A_229, %get3A_249 : vector<16xf32>
      tpu.vector_store_idx %arg9[%add3A_231, %broadcast_in_dim3A_251], %mul3A_252 : memref<2048x8xf32, #tpu.memory_space<vmem>>[vector<16xi32>, vector<16xi32>], vector<16xf32>,
      %add3A_253 = arith.constant 32 : i32
      %add3A_254 = arith.addi %mul3A_199, %add3A_253 : i32
      %get3A_255 = arith.index_cast %add3A_254 : i32 to index
      %get3A_256 = tpu.vector_load %arg7[%get3A_255] {strides = array<i32>} : memref<2048xf32, #tpu.memory_space<vmem>>, vector<16xf32>,
      %add3A_257 = vector.broadcast %add3A_254 : i32 to vector<16xi32>
      %add3A_258 = arith.addi %iota3A, %add3A_257 : vector<16xi32>
      %add3A_259 = arith.constant 0 : i32
      %add3A_260 = arith.addi %add3A_259, %add3A_254 : i32
      %get3A_261 = arith.index_cast %add3A_260 : i32 to index
      %get3A_262 = tpu.vector_load %arg8[%get3A_261] {strides = array<i32>} : memref<6144xf32, #tpu.memory_space<vmem>>, vector<16xf32>,
      %broadcast_in_dim3A_263 = arith.constant 0 : i32
      %broadcast_in_dim3A_264 = vector.broadcast %broadcast_in_dim3A_263 : i32 to vector<16xi32>
      %mul3A_265 = arith.mulf %get3A_256, %get3A_262 : vector<16xf32>
      tpu.vector_store_idx %arg9[%add3A_258, %broadcast_in_dim3A_264], %mul3A_265 : memref<2048x8xf32, #tpu.memory_space<vmem>>[vector<16xi32>, vector<16xi32>], vector<16xf32>,
      %add3A_266 = arith.constant 2048 : i32
      %add3A_267 = arith.addi %add3A_266, %add3A_254 : i32
      %get3A_268 = arith.index_cast %add3A_267 : i32 to index
      %get3A_269 = tpu.vector_load %arg8[%get3A_268] {strides = array<i32>} : memref<6144xf32, #tpu.memory_space<vmem>>, vector<16xf32>,
      %broadcast_in_dim3A_270 = arith.constant 1 : i32
      %broadcast_in_dim3A_271 = vector.broadcast %broadcast_in_dim3A_270 : i32 to vector<16xi32>
      %mul3A_272 = arith.mulf %get3A_256, %get3A_269 : vector<16xf32>
      tpu.vector_store_idx %arg9[%add3A_258, %broadcast_in_dim3A_271], %mul3A_272 : memref<2048x8xf32, #tpu.memory_space<vmem>>[vector<16xi32>, vector<16xi32>], vector<16xf32>,
      %add3A_273 = arith.constant 4096 : i32
      %add3A_274 = arith.addi %add3A_273, %add3A_254 : i32
      %get3A_275 = arith.index_cast %add3A_274 : i32 to index
      %get3A_276 = tpu.vector_load %arg8[%get3A_275] {strides = array<i32>} : memref<6144xf32, #tpu.memory_space<vmem>>, vector<16xf32>,
      %broadcast_in_dim3A_277 = arith.constant 2 : i32
      %broadcast_in_dim3A_278 = vector.broadcast %broadcast_in_dim3A_277 : i32 to vector<16xi32>
      %mul3A_279 = arith.mulf %get3A_256, %get3A_276 : vector<16xf32>
      tpu.vector_store_idx %arg9[%add3A_258, %broadcast_in_dim3A_278], %mul3A_279 : memref<2048x8xf32, #tpu.memory_space<vmem>>[vector<16xi32>, vector<16xi32>], vector<16xf32>,
      %add3A_280 = arith.constant 48 : i32
      %add3A_281 = arith.addi %mul3A_199, %add3A_280 : i32
      %get3A_282 = arith.index_cast %add3A_281 : i32 to index
      %get3A_283 = tpu.vector_load %arg7[%get3A_282] {strides = array<i32>} : memref<2048xf32, #tpu.memory_space<vmem>>, vector<16xf32>,
      %add3A_284 = vector.broadcast %add3A_281 : i32 to vector<16xi32>
      %add3A_285 = arith.addi %iota3A, %add3A_284 : vector<16xi32>
      %add3A_286 = arith.constant 0 : i32
      %add3A_287 = arith.addi %add3A_286, %add3A_281 : i32
      %get3A_288 = arith.index_cast %add3A_287 : i32 to index
      %get3A_289 = tpu.vector_load %arg8[%get3A_288] {strides = array<i32>} : memref<6144xf32, #tpu.memory_space<vmem>>, vector<16xf32>,
      %broadcast_in_dim3A_290 = arith.constant 0 : i32
      %broadcast_in_dim3A_291 = vector.broadcast %broadcast_in_dim3A_290 : i32 to vector<16xi32>
      %mul3A_292 = arith.mulf %get3A_283, %get3A_289 : vector<16xf32>
      tpu.vector_store_idx %arg9[%add3A_285, %broadcast_in_dim3A_291], %mul3A_292 : memref<2048x8xf32, #tpu.memory_space<vmem>>[vector<16xi32>, vector<16xi32>], vector<16xf32>,
      %add3A_293 = arith.constant 2048 : i32
      %add3A_294 = arith.addi %add3A_293, %add3A_281 : i32
      %get3A_295 = arith.index_cast %add3A_294 : i32 to index
      %get3A_296 = tpu.vector_load %arg8[%get3A_295] {strides = array<i32>} : memref<6144xf32, #tpu.memory_space<vmem>>, vector<16xf32>,
      %broadcast_in_dim3A_297 = arith.constant 1 : i32
      %broadcast_in_dim3A_298 = vector.broadcast %broadcast_in_dim3A_297 : i32 to vector<16xi32>
      %mul3A_299 = arith.mulf %get3A_283, %get3A_296 : vector<16xf32>
      tpu.vector_store_idx %arg9[%add3A_285, %broadcast_in_dim3A_298], %mul3A_299 : memref<2048x8xf32, #tpu.memory_space<vmem>>[vector<16xi32>, vector<16xi32>], vector<16xf32>,
      %add3A_300 = arith.constant 4096 : i32
      %add3A_301 = arith.addi %add3A_300, %add3A_281 : i32
      %get3A_302 = arith.index_cast %add3A_301 : i32 to index
      %get3A_303 = tpu.vector_load %arg8[%get3A_302] {strides = array<i32>} : memref<6144xf32, #tpu.memory_space<vmem>>, vector<16xf32>,
      %broadcast_in_dim3A_304 = arith.constant 2 : i32
      %broadcast_in_dim3A_305 = vector.broadcast %broadcast_in_dim3A_304 : i32 to vector<16xi32>
      %mul3A_306 = arith.mulf %get3A_283, %get3A_303 : vector<16xf32>
      tpu.vector_store_idx %arg9[%add3A_285, %broadcast_in_dim3A_305], %mul3A_306 : memref<2048x8xf32, #tpu.memory_space<vmem>>[vector<16xi32>, vector<16xi32>], vector<16xf32>,
      %add3A_307 = arith.constant 64 : i32
      %add3A_308 = arith.addi %mul3A_199, %add3A_307 : i32
      %get3A_309 = arith.index_cast %add3A_308 : i32 to index
      %get3A_310 = tpu.vector_load %arg7[%get3A_309] {strides = array<i32>} : memref<2048xf32, #tpu.memory_space<vmem>>, vector<16xf32>,
      %add3A_311 = vector.broadcast %add3A_308 : i32 to vector<16xi32>
      %add3A_312 = arith.addi %iota3A, %add3A_311 : vector<16xi32>
      %add3A_313 = arith.constant 0 : i32
      %add3A_314 = arith.addi %add3A_313, %add3A_308 : i32
      %get3A_315 = arith.index_cast %add3A_314 : i32 to index
      %get3A_316 = tpu.vector_load %arg8[%get3A_315] {strides = array<i32>} : memref<6144xf32, #tpu.memory_space<vmem>>, vector<16xf32>,
      %broadcast_in_dim3A_317 = arith.constant 0 : i32
      %broadcast_in_dim3A_318 = vector.broadcast %broadcast_in_dim3A_317 : i32 to vector<16xi32>
      %mul3A_319 = arith.mulf %get3A_310, %get3A_316 : vector<16xf32>
      tpu.vector_store_idx %arg9[%add3A_312, %broadcast_in_dim3A_318], %mul3A_319 : memref<2048x8xf32, #tpu.memory_space<vmem>>[vector<16xi32>, vector<16xi32>], vector<16xf32>,
      %add3A_320 = arith.constant 2048 : i32
      %add3A_321 = arith.addi %add3A_320, %add3A_308 : i32
      %get3A_322 = arith.index_cast %add3A_321 : i32 to index
      %get3A_323 = tpu.vector_load %arg8[%get3A_322] {strides = array<i32>} : memref<6144xf32, #tpu.memory_space<vmem>>, vector<16xf32>,
      %broadcast_in_dim3A_324 = arith.constant 1 : i32
      %broadcast_in_dim3A_325 = vector.broadcast %broadcast_in_dim3A_324 : i32 to vector<16xi32>
      %mul3A_326 = arith.mulf %get3A_310, %get3A_323 : vector<16xf32>
      tpu.vector_store_idx %arg9[%add3A_312, %broadcast_in_dim3A_325], %mul3A_326 : memref<2048x8xf32, #tpu.memory_space<vmem>>[vector<16xi32>, vector<16xi32>], vector<16xf32>,
      %add3A_327 = arith.constant 4096 : i32
      %add3A_328 = arith.addi %add3A_327, %add3A_308 : i32
      %get3A_329 = arith.index_cast %add3A_328 : i32 to index
      %get3A_330 = tpu.vector_load %arg8[%get3A_329] {strides = array<i32>} : memref<6144xf32, #tpu.memory_space<vmem>>, vector<16xf32>,
      %broadcast_in_dim3A_331 = arith.constant 2 : i32
      %broadcast_in_dim3A_332 = vector.broadcast %broadcast_in_dim3A_331 : i32 to vector<16xi32>
      %mul3A_333 = arith.mulf %get3A_310, %get3A_330 : vector<16xf32>
      tpu.vector_store_idx %arg9[%add3A_312, %broadcast_in_dim3A_332], %mul3A_333 : memref<2048x8xf32, #tpu.memory_space<vmem>>[vector<16xi32>, vector<16xi32>], vector<16xf32>,
      %add3A_334 = arith.constant 80 : i32
      %add3A_335 = arith.addi %mul3A_199, %add3A_334 : i32
      %get3A_336 = arith.index_cast %add3A_335 : i32 to index
      %get3A_337 = tpu.vector_load %arg7[%get3A_336] {strides = array<i32>} : memref<2048xf32, #tpu.memory_space<vmem>>, vector<16xf32>,
      %add3A_338 = vector.broadcast %add3A_335 : i32 to vector<16xi32>
      %add3A_339 = arith.addi %iota3A, %add3A_338 : vector<16xi32>
      %add3A_340 = arith.constant 0 : i32
      %add3A_341 = arith.addi %add3A_340, %add3A_335 : i32
      %get3A_342 = arith.index_cast %add3A_341 : i32 to index
      %get3A_343 = tpu.vector_load %arg8[%get3A_342] {strides = array<i32>} : memref<6144xf32, #tpu.memory_space<vmem>>, vector<16xf32>,
      %broadcast_in_dim3A_344 = arith.constant 0 : i32
      %broadcast_in_dim3A_345 = vector.broadcast %broadcast_in_dim3A_344 : i32 to vector<16xi32>
      %mul3A_346 = arith.mulf %get3A_337, %get3A_343 : vector<16xf32>
      tpu.vector_store_idx %arg9[%add3A_339, %broadcast_in_dim3A_345], %mul3A_346 : memref<2048x8xf32, #tpu.memory_space<vmem>>[vector<16xi32>, vector<16xi32>], vector<16xf32>,
      %add3A_347 = arith.constant 2048 : i32
      %add3A_348 = arith.addi %add3A_347, %add3A_335 : i32
      %get3A_349 = arith.index_cast %add3A_348 : i32 to index
      %get3A_350 = tpu.vector_load %arg8[%get3A_349] {strides = array<i32>} : memref<6144xf32, #tpu.memory_space<vmem>>, vector<16xf32>,
      %broadcast_in_dim3A_351 = arith.constant 1 : i32
      %broadcast_in_dim3A_352 = vector.broadcast %broadcast_in_dim3A_351 : i32 to vector<16xi32>
      %mul3A_353 = arith.mulf %get3A_337, %get3A_350 : vector<16xf32>
      tpu.vector_store_idx %arg9[%add3A_339, %broadcast_in_dim3A_352], %mul3A_353 : memref<2048x8xf32, #tpu.memory_space<vmem>>[vector<16xi32>, vector<16xi32>], vector<16xf32>,
      %add3A_354 = arith.constant 4096 : i32
      %add3A_355 = arith.addi %add3A_354, %add3A_335 : i32
      %get3A_356 = arith.index_cast %add3A_355 : i32 to index
      %get3A_357 = tpu.vector_load %arg8[%get3A_356] {strides = array<i32>} : memref<6144xf32, #tpu.memory_space<vmem>>, vector<16xf32>,
      %broadcast_in_dim3A_358 = arith.constant 2 : i32
      %broadcast_in_dim3A_359 = vector.broadcast %broadcast_in_dim3A_358 : i32 to vector<16xi32>
      %mul3A_360 = arith.mulf %get3A_337, %get3A_357 : vector<16xf32>
      tpu.vector_store_idx %arg9[%add3A_339, %broadcast_in_dim3A_359], %mul3A_360 : memref<2048x8xf32, #tpu.memory_space<vmem>>[vector<16xi32>, vector<16xi32>], vector<16xf32>,
      %add3A_361 = arith.constant 96 : i32
      %add3A_362 = arith.addi %mul3A_199, %add3A_361 : i32
      %get3A_363 = arith.index_cast %add3A_362 : i32 to index
      %get3A_364 = tpu.vector_load %arg7[%get3A_363] {strides = array<i32>} : memref<2048xf32, #tpu.memory_space<vmem>>, vector<16xf32>,
      %add3A_365 = vector.broadcast %add3A_362 : i32 to vector<16xi32>
      %add3A_366 = arith.addi %iota3A, %add3A_365 : vector<16xi32>
      %add3A_367 = arith.constant 0 : i32
      %add3A_368 = arith.addi %add3A_367, %add3A_362 : i32
      %get3A_369 = arith.index_cast %add3A_368 : i32 to index
      %get3A_370 = tpu.vector_load %arg8[%get3A_369] {strides = array<i32>} : memref<6144xf32, #tpu.memory_space<vmem>>, vector<16xf32>,
      %broadcast_in_dim3A_371 = arith.constant 0 : i32
      %broadcast_in_dim3A_372 = vector.broadcast %broadcast_in_dim3A_371 : i32 to vector<16xi32>
      %mul3A_373 = arith.mulf %get3A_364, %get3A_370 : vector<16xf32>
      tpu.vector_store_idx %arg9[%add3A_366, %broadcast_in_dim3A_372], %mul3A_373 : memref<2048x8xf32, #tpu.memory_space<vmem>>[vector<16xi32>, vector<16xi32>], vector<16xf32>,
      %add3A_374 = arith.constant 2048 : i32
      %add3A_375 = arith.addi %add3A_374, %add3A_362 : i32
      %get3A_376 = arith.index_cast %add3A_375 : i32 to index
      %get3A_377 = tpu.vector_load %arg8[%get3A_376] {strides = array<i32>} : memref<6144xf32, #tpu.memory_space<vmem>>, vector<16xf32>,
      %broadcast_in_dim3A_378 = arith.constant 1 : i32
      %broadcast_in_dim3A_379 = vector.broadcast %broadcast_in_dim3A_378 : i32 to vector<16xi32>
      %mul3A_380 = arith.mulf %get3A_364, %get3A_377 : vector<16xf32>
      tpu.vector_store_idx %arg9[%add3A_366, %broadcast_in_dim3A_379], %mul3A_380 : memref<2048x8xf32, #tpu.memory_space<vmem>>[vector<16xi32>, vector<16xi32>], vector<16xf32>,
      %add3A_381 = arith.constant 4096 : i32
      %add3A_382 = arith.addi %add3A_381, %add3A_362 : i32
      %get3A_383 = arith.index_cast %add3A_382 : i32 to index
      %get3A_384 = tpu.vector_load %arg8[%get3A_383] {strides = array<i32>} : memref<6144xf32, #tpu.memory_space<vmem>>, vector<16xf32>,
      %broadcast_in_dim3A_385 = arith.constant 2 : i32
      %broadcast_in_dim3A_386 = vector.broadcast %broadcast_in_dim3A_385 : i32 to vector<16xi32>
      %mul3A_387 = arith.mulf %get3A_364, %get3A_384 : vector<16xf32>
      tpu.vector_store_idx %arg9[%add3A_366, %broadcast_in_dim3A_386], %mul3A_387 : memref<2048x8xf32, #tpu.memory_space<vmem>>[vector<16xi32>, vector<16xi32>], vector<16xf32>,
      %add3A_388 = arith.constant 112 : i32
      %add3A_389 = arith.addi %mul3A_199, %add3A_388 : i32
      %get3A_390 = arith.index_cast %add3A_389 : i32 to index
      %get3A_391 = tpu.vector_load %arg7[%get3A_390] {strides = array<i32>} : memref<2048xf32, #tpu.memory_space<vmem>>, vector<16xf32>,
      %add3A_392 = vector.broadcast %add3A_389 : i32 to vector<16xi32>
      %add3A_393 = arith.addi %iota3A, %add3A_392 : vector<16xi32>
      %add3A_394 = arith.constant 0 : i32
      %add3A_395 = arith.addi %add3A_394, %add3A_389 : i32
      %get3A_396 = arith.index_cast %add3A_395 : i32 to index
      %get3A_397 = tpu.vector_load %arg8[%get3A_396] {strides = array<i32>} : memref<6144xf32, #tpu.memory_space<vmem>>, vector<16xf32>,
      %broadcast_in_dim3A_398 = arith.constant 0 : i32
      %broadcast_in_dim3A_399 = vector.broadcast %broadcast_in_dim3A_398 : i32 to vector<16xi32>
      %mul3A_400 = arith.mulf %get3A_391, %get3A_397 : vector<16xf32>
      tpu.vector_store_idx %arg9[%add3A_393, %broadcast_in_dim3A_399], %mul3A_400 : memref<2048x8xf32, #tpu.memory_space<vmem>>[vector<16xi32>, vector<16xi32>], vector<16xf32>,
      %add3A_401 = arith.constant 2048 : i32
      %add3A_402 = arith.addi %add3A_401, %add3A_389 : i32
      %get3A_403 = arith.index_cast %add3A_402 : i32 to index
      %get3A_404 = tpu.vector_load %arg8[%get3A_403] {strides = array<i32>} : memref<6144xf32, #tpu.memory_space<vmem>>, vector<16xf32>,
      %broadcast_in_dim3A_405 = arith.constant 1 : i32
      %broadcast_in_dim3A_406 = vector.broadcast %broadcast_in_dim3A_405 : i32 to vector<16xi32>
      %mul3A_407 = arith.mulf %get3A_391, %get3A_404 : vector<16xf32>
      tpu.vector_store_idx %arg9[%add3A_393, %broadcast_in_dim3A_406], %mul3A_407 : memref<2048x8xf32, #tpu.memory_space<vmem>>[vector<16xi32>, vector<16xi32>], vector<16xf32>,
      %add3A_408 = arith.constant 4096 : i32
      %add3A_409 = arith.addi %add3A_408, %add3A_389 : i32
      %get3A_410 = arith.index_cast %add3A_409 : i32 to index
      %get3A_411 = tpu.vector_load %arg8[%get3A_410] {strides = array<i32>} : memref<6144xf32, #tpu.memory_space<vmem>>, vector<16xf32>,
      %broadcast_in_dim3A_412 = arith.constant 2 : i32
      %broadcast_in_dim3A_413 = vector.broadcast %broadcast_in_dim3A_412 : i32 to vector<16xi32>
      %mul3A_414 = arith.mulf %get3A_391, %get3A_411 : vector<16xf32>
      tpu.vector_store_idx %arg9[%add3A_393, %broadcast_in_dim3A_413], %mul3A_414 : memref<2048x8xf32, #tpu.memory_space<vmem>>[vector<16xi32>, vector<16xi32>], vector<16xf32>,
      "tpu.region"() ({
        %run_scoped3A = tpu.sem_alloc : memref<!tpu.dma_semaphore, #tpu.memory_space<semaphore_mem>>
        %dma_start3A = arith.constant 0 : i32
        %dma_start3A_415 = tpu.memref_slice %arg9[%mul3A_199, %dma_start3A] : memref<2048x8xf32, #tpu.memory_space<vmem>> -> memref<128x8xf32, #tpu.memory_space<vmem>>
        %dma_start3A_416 = arith.constant 0 : i32
        %dma_start3A_417 = tpu.memref_slice %arg6[%add3A_197, %dma_start3A_416] : memref<16x128xi32, #tpu.memory_space<vmem>> -> memref<1x128xi32, #tpu.memory_space<vmem>>
        %dma_start3A_418 = tpu.memref_squeeze %dma_start3A_417 : memref<1x128xi32, #tpu.memory_space<vmem>> -> memref<128xi32, #tpu.memory_space<vmem>>
        %dma_start3A_419 = arith.constant 0 : i32
        %dma_start3A_420 = arith.constant 0 : i32
        %dma_start3A_421 = tpu.memref_slice %arg11[%dma_start3A_419, %dma_start3A_420] : memref<100352x8xf32, #tpu.memory_space<vmem_shared>> -> memref<100352x8xf32, #tpu.memory_space<vmem_shared>>
        tpu.enqueue_indirect_dma source(%dma_start3A_415 : memref<128x8xf32, #tpu.memory_space<vmem>>) target(%dma_start3A_421 : memref<100352x8xf32, #tpu.memory_space<vmem_shared>>) offsets(%dma_start3A_418 : memref<128xi32, #tpu.memory_space<vmem>>) semaphore(%run_scoped3A : memref<!tpu.dma_semaphore, #tpu.memory_space<semaphore_mem>>) {add = true}
        %dma_wait3A = arith.constant 0 : i32
        %dma_wait3A_422 = tpu.memref_slice %arg9[%mul3A_199, %dma_wait3A] : memref<2048x8xf32, #tpu.memory_space<vmem>> -> memref<128x8xf32, #tpu.memory_space<vmem>>
        %dma_wait3A_423 = arith.constant 0 : i32
        %dma_wait3A_424 = tpu.memref_slice %arg6[%add3A_197, %dma_wait3A_423] : memref<16x128xi32, #tpu.memory_space<vmem>> -> memref<1x128xi32, #tpu.memory_space<vmem>>
        %dma_wait3A_425 = tpu.memref_squeeze %dma_wait3A_424 : memref<1x128xi32, #tpu.memory_space<vmem>> -> memref<128xi32, #tpu.memory_space<vmem>>
        %dma_wait3A_426 = arith.constant 0 : i32
        %dma_wait3A_427 = arith.constant 0 : i32
        %dma_wait3A_428 = tpu.memref_slice %arg11[%dma_wait3A_426, %dma_wait3A_427] : memref<100352x8xf32, #tpu.memory_space<vmem_shared>> -> memref<100352x8xf32, #tpu.memory_space<vmem_shared>>
        tpu.wait_indirect_dma semaphore(%run_scoped3A : memref<!tpu.dma_semaphore, #tpu.memory_space<semaphore_mem>>) src(%dma_wait3A_422 : memref<128x8xf32, #tpu.memory_space<vmem>>) dst(%dma_wait3A_428 : memref<100352x8xf32, #tpu.memory_space<vmem_shared>>)
        tpu.yield
      }) : () -> ()
    }
    %barrier3A_187 = arith.constant 0 : index
    tpu.barrier barrier_id(%barrier3A_187)
    %mul3A_188 = arith.constant 6272 : i32
    %mul3A_189 = arith.muli %arg1, %mul3A_188 : i32
    %mul3A_190 = arith.constant 100352 : i32
    %mul3A_191 = arith.muli %arg0, %mul3A_190 : i32
    %mul3A_192 = arith.constant 6272 : i32
    %mul3A_193 = arith.muli %arg1, %mul3A_192 : i32
    %add3A_194 = arith.addi %mul3A_191, %mul3A_193 : i32
    "tpu.region"() ({
      %run_scoped3A = tpu.sem_alloc : memref<!tpu.dma_semaphore, #tpu.memory_space<semaphore_mem>>
      %dma_start3A = arith.constant 0 : i32
      %dma_start3A_195 = tpu.memref_slice %arg5[%add3A_194, %dma_start3A] : memref<200704x8xf32, #tpu.memory_space<hbm>> -> memref<6272x8xf32, #tpu.memory_space<hbm>>
      %dma_start3A_196 = arith.constant 0 : i32
      %dma_start3A_197 = tpu.memref_slice %arg11[%mul3A_189, %dma_start3A_196] : memref<100352x8xf32, #tpu.memory_space<vmem_shared>> -> memref<6272x8xf32, #tpu.memory_space<vmem_shared>>
      tpu.enqueue_dma source(%dma_start3A_197 : memref<6272x8xf32, #tpu.memory_space<vmem_shared>>) target(%dma_start3A_195 : memref<6272x8xf32, #tpu.memory_space<hbm>>) target_semaphore(%run_scoped3A : memref<!tpu.dma_semaphore, #tpu.memory_space<semaphore_mem>>)
      %dma_wait3A = arith.constant 0 : i32
      %dma_wait3A_198 = tpu.memref_slice %arg5[%add3A_194, %dma_wait3A] : memref<200704x8xf32, #tpu.memory_space<hbm>> -> memref<6272x8xf32, #tpu.memory_space<hbm>>
      %dma_wait3A_199 = arith.constant 0 : i32
      %dma_wait3A_200 = tpu.memref_slice %arg11[%mul3A_189, %dma_wait3A_199] : memref<100352x8xf32, #tpu.memory_space<vmem_shared>> -> memref<6272x8xf32, #tpu.memory_space<vmem_shared>>
      tpu.wait_dma2 semaphore(%run_scoped3A : memref<!tpu.dma_semaphore, #tpu.memory_space<semaphore_mem>>) src(%dma_wait3A_200 : memref<6272x8xf32, #tpu.memory_space<vmem_shared>>) dst(%dma_wait3A_198 : memref<6272x8xf32, #tpu.memory_space<hbm>>)
      tpu.yield
    }) : () -> ()
    return
  }
}

</mosaic_0001>

<sc_bundles>
// kernel: _sc_segment_sum.3.cloned.1.call-start
scs
__scs_entry_jumppad:
0x0: {  	(pc) =	sbr.rel $0x88, $3  }
0x1: {  	(tag) =	ssettag $0x0;
	lr =	simm.s32 $0x1  }
0x2: {  	[smem:$0x3F9E] =	sst lr;
	_ =	strace $0xD0000000  }
0x3: {  	_ = 	snop  }
0x4: {  	_ = 	snop  }
0x5: {  	_ = 	snop  }
0x6: {  	_ = 	snop  }
0x7: {  	_ = 	snop  }
__scs_overlays_trampoline_lowered:
0x8: {  	[smem:$0x3FAD] =	sst s0  }
0x9: {  	[smem:$0x3FAE] =	sst s1  }
0xa: {  	[smem:$0x3FAF] =	sst s2  }
0xb: {  	[smem:$0x3FB0] =	sst s3  }
0xc: {  	[smem:$0x3FB1] =	sst s4  }
0xd: {  	[smem:$0x3FB2] =	sst s5  }
0xe: {  	[smem:$0x3FB3] =	sst s6  }
0xf: {  	[smem:$0x3FB4] =	sst s7  }
0x10: {  	[smem:$0x3FB5] =	sst s8  }
0x11: {  	[smem:$0x3FB6] =	sst s9;
	s0 =	simm.s32 @!p0 $0x0  }
0x12: {  	s1 =	sld [smem:$0x3F9C];
	s0 =	simm.s32 @p0 $0x1  }
0x13: {  	[smem:$0x3FB7] =	sst s0;
	s0 =	simm.s32 @!p1 $0x0  }
0x14: {  	s2 =	sld [smem:$0x3F9B];
	s0 =	simm.s32 @p1 $0x1  }
0x15: {  	[smem:$0x3FB8] =	sst s0;
	s0 =	simm.s32 @!p2 $0x0  }
0x16: {  	s3 =	sld [smem:$0x3FDB];
	s0 =	simm.s32 @p2 $0x1  }
0x17: {  	s4 =	simm.s32 $0x1BF5;
	[smem:$0x3FBA] =	sst s0  }
0x18: {  	s0 =	sld [smem:$0x3F9D];
	_ =	swait.ge [sflag:s4], $0x0  }
0x19: {  	s7 =	sld [smem:$0x3F9E]  }
0x1a: {  	s8 =	sadd.s32 $0xFFFFE003, lr  }
0x1b: {  	s9 =	sadd.s32 $0xFFFFFEF7, lr;
	s5 =	simm.s32 $0xFFFFFFFF;
	p2 =	slt.u32 s8, $0xFFFFF086  }
0x1c: {  	p1 =	slt.u32 s9, $0xF7A;
	s5 =	simm.s32 @!p2 $0x0  }
0x1d: {  	s5 =	simm.s32 @p1 $0x1;
	p0 =	seq.s32 s7, s2  }
0x1e: {  	s7 =	smul.u32 @!p0 $0xF7A, s2;
	p2 =	seq.s32 @!p0 s5, $0x0  }
0x1f: {  	s9 =	smul.u32 $0xF7A, s1;
	s8 =	simm.s32 @!p0 $0x1BF5;
	p2 =	por !p2, p0  }
0x20: {  	[sflag:s8] =	ssyncset.s32 @!p0 $0xFFFFF086;
	s6 =	sadd.s32 @!p0 s3, s7;
	s7 =	simm.s32 @!p0 $0x108  }
0x21: {  	s3 =	sadd.s32 s3, s9;
	s6 =	sadd.s32 @!p0 $0x88, s6;
	s7 =	simm.s32 @p2 $0x1082  }
0x22: {  	[simem:s7], [sflag:s8] =	dma.local @!p0 [hbm:s6], $0xF7A  }
0x23: {  	s9 =	sor.u32 $0xD0000000, s2;
	s6 =	simm.s32 $0x108;
	_ =	swait.ge @!p0 [sflag:s8], $0x0  }
0x24: {  	s3 =	sadd.s32 $0x88, s3;
	s6 =	simm.s32 @!p1 $0x1082;
	[sflag:s4] =	ssyncset.s32 $0xFFFFF086  }
0x25: {  	[simem:s6], [sflag:s4] =	dma.local [hbm:s3], $0xF7A  }
0x26: {  	[smem:$0x3F9E] =	sst s1;
	(tag) =	ssettag s2;
	_ =	strace s9  }
0x27: {  	s1 =	sld [smem:$0x3FAE]  }
0x28: {  	s2 =	sld [smem:$0x3FAF]  }
0x29: {  	s4 =	sld [smem:$0x3FB1]  }
0x2a: {  	p0 =	seq.s32 s5, $0x0;
	s5 =	sld [smem:$0x3FB2]  }
0x2b: {  	s6 =	sld [smem:$0x3FB3]  }
0x2c: {  	s7 =	sld [smem:$0x3FB4]  }
0x2d: {  	s3 =	simm.s32 $0x108;
	s8 =	sld [smem:$0x3FB5]  }
0x2e: {  	s3 =	simm.s32 @!p0 $0x1082;
	s9 =	sld [smem:$0x3FB6]  }
0x2f: {  	lr =	sadd.s32 s0, s3;
	s0 =	sld [smem:$0x3FAD]  }
0x30: {  	s3 =	sld [smem:$0x3FB0]  }
0x31: {  	[smem:$0x3FB9] =	sst s10  }
0x32: {  	s10 =	sld [smem:$0x3FB7];
	_ =	sdelay $0x3  }
0x33: {  	p0 =	seq.s32 s10, $0x1;
	s10 =	sld [smem:$0x3FB9];
	_ =	sdelay $0x3  }
0x34: {  	[smem:$0x3FB9] =	sst s10  }
0x35: {  	s10 =	sld [smem:$0x3FB8];
	_ =	sdelay $0x3  }
0x36: {  	p1 =	seq.s32 s10, $0x1;
	s10 =	sld [smem:$0x3FB9];
	_ =	sdelay $0x3  }
0x37: {  	[smem:$0x3FB9] =	sst s10  }
0x38: {  	s10 =	sld [smem:$0x3FBA]  }
0x39: {  	_ = 	snop;
	(pc) =	sbr.ind lr, $3  }
0x3a: {  	_ = 	snop  }
0x3b: {  	_ = 	snop  }
0x3c: {  	p2 =	seq.s32 s10, $0x1;
	s10 =	sld [smem:$0x3FB9]  }
0x3d: {  	_ =	shalt  }
0x3e: {  	_ =	shalt  }
0x3f: {  	_ =	shalt  }
0x40: {  	_ =	shalt  }
0x41: {  	_ =	shalt  }
0x42: {  	_ =	shalt  }
0x43: {  	_ =	shalt  }
0x44: {  	_ =	shalt  }
0x45: {  	_ =	shalt  }
0x46: {  	_ =	shalt  }
0x47: {  	_ =	shalt  }
0x48: {  	_ =	shalt  }
0x49: {  	_ =	shalt  }
0x4a: {  	_ =	shalt  }
0x4b: {  	_ =	shalt  }
0x4c: {  	_ =	shalt  }
0x4d: {  	_ =	shalt  }
0x4e: {  	_ =	shalt  }
0x4f: {  	_ =	shalt  }
0x50: {  	_ =	shalt  }
0x51: {  	_ =	shalt  }
0x52: {  	_ =	shalt  }
0x53: {  	_ =	shalt  }
0x54: {  	_ =	shalt  }
0x55: {  	_ =	shalt  }
0x56: {  	_ =	shalt  }
0x57: {  	_ =	shalt  }
0x58: {  	_ =	shalt  }
0x59: {  	_ =	shalt  }
0x5a: {  	_ =	shalt  }
0x5b: {  	_ =	shalt  }
0x5c: {  	_ =	shalt  }
0x5d: {  	_ =	shalt  }
0x5e: {  	_ =	shalt  }
0x5f: {  	_ =	shalt  }
0x60: {  	_ =	shalt  }
0x61: {  	_ =	shalt  }
0x62: {  	_ =	shalt  }
0x63: {  	_ =	shalt  }
0x64: {  	_ =	shalt  }
0x65: {  	_ =	shalt  }
0x66: {  	_ =	shalt  }
0x67: {  	_ =	shalt  }
0x68: {  	_ =	shalt  }
0x69: {  	_ =	shalt  }
0x6a: {  	_ =	shalt  }
0x6b: {  	_ =	shalt  }
0x6c: {  	_ =	shalt  }
0x6d: {  	_ =	shalt  }
0x6e: {  	_ =	shalt  }
0x6f: {  	_ =	shalt  }
0x70: {  	_ =	shalt  }
0x71: {  	_ =	shalt  }
0x72: {  	_ =	shalt  }
0x73: {  	_ =	shalt  }
0x74: {  	_ =	shalt  }
0x75: {  	_ =	shalt  }
0x76: {  	_ =	shalt  }
0x77: {  	_ =	shalt  }
0x78: {  	_ =	shalt  }
0x79: {  	_ =	shalt  }
0x7a: {  	_ =	shalt  }
0x7b: {  	_ =	shalt  }
0x7c: {  	_ =	shalt  }
0x7d: {  	_ =	shalt  }
0x7e: {  	_ =	shalt  }
0x7f: {  	_ =	shalt  }
0x80: {  	_ =	shalt  }
0x81: {  	_ =	shalt  }
0x82: {  	_ =	shalt  }
0x83: {  	_ =	shalt  }
0x84: {  	_ =	shalt  }
0x85: {  	_ =	shalt  }
0x86: {  	_ =	shalt  }
0x87: {  	_ =	shalt  }
.Lfunc_end0:
.L_simem_size_0:
called_computation_lowered:
.L_overlay_start_0:
0x88: {  	s2 =	sld [smem:$0x3FD9]  }
0x89: {  	s3 =	sld [smem:$0x3FFE];
	_ =	sdelay $0x1  }
0x8a: {  	s1 =	srdreg.scid  }
0x8b: {  	s0 =	sand.u32 $0x1, s1  }
0x8c: {  	s18 =	sshll.u32 s0, $0xA;
	s2 =	sadd.s32 s3, s2  }
0x8d: {  	s2 =	sadd.s32 s2, s18  }
0x8e: {  	[smem:$0x3FC5] =	sst s2  }
0x8f: {  	_ = 	snop  }
0x90: {  	s2 =	sld [smem:$0x3FC9]  }
0x91: {  	s19 =	sld [smem:$0x3FC8]  }
0x92: {  	s4 =	sld [smem:$0x3FC7]  }
0x93: {  	s5 =	sld [smem:$0x3FD0];
	(tm) =	ssettm $0x1  }
0x94: {  	s6 =	sld [smem:$0x3FFB];
	_ =	sdelay $0x3  }
0x95: {  	_ =	strace s6  }
0x96: {  	s6 =	sld [smem:$0x3FFC];
	_ =	sdelay $0x3  }
0x97: {  	_ =	strace s6  }
0x98: {  	s6 =	sld [smem:$0x3FFD];
	_ =	sdelay $0x3  }
0x99: {  	_ =	strace s6  }
0x9a: {  	_ =	strace $0x8FFFFFFF  }
0x9b: {  	s20 =	sld [smem:$0x3FDB];
	_ =	sdelay $0x1  }
0x9c: {  	s7 =	simm.s32 $_scs_section_size  }
0x9d: {  	s8 =	simm.s32 $_size__tile_overlayer_lowered;
	s9 =	simm.s32 $_tile_overlayer_lowered  }
0x9e: {  	s23 =	simm.s32 $0x1BFF;
	s22 =	sshll.u32 s9, $0x1;
	s6 =	sadd.s32 s7, s20  }
0x9f: {  	s10 =	simm.s32 $0x0;
	s21 =	sshll.u32 s8, $0x1;
	s8 =	sadd.s32 s22, s6  }
0xa0: {  	[timem:s10], [sflag:s23] =	dma.local [hbm:s8], s21  }
0xa1: {  	_ =	swait.ge [sflag:s23], s21  }
0xa2: {  	s7 =	ssub.s32 $0x0, s21;
	[sflag:s23] =	ssyncset.done $0x0  }
0xa3: {  	[sflag:s23] =	ssyncadd.s32 s7;
	_ =	sdelay $0x1  }
0xa4: {  	s24 =	simm.s32 $0x1B8B  }
0xa5: {  	_ =	swait.ge [sflag:s24], $0x1  }
0xa6: {  	[sflag:s24] =	ssyncset.done $0x0  }
0xa7: {  	s25 =	simm.s32 $0x1B8E;
	[sflag:s24] =	ssyncadd.s32 $0xFFFFFFFF  }
0xa8: {  	s26 =	simm.s32 $execute0_lowered;
	[smem:$0x3FD2] =	sst s25  }
0xa9: {  	s7 =	sshll.u32 s26, $0x1;
	_ =	strace $0x80000046;
	[dreg:$0x1] =	wrdreg $0xFFFFFFFF  }
0xaa: {  	s28 =	simm.s32 $_size_execute0_lowered;
	s6 =	sadd.s32 s6, s7;
	[dreg:$0x0] =	wrdreg $0x0  }
0xab: {  	s7 =	sshll.u32 s28, $0x1;
	[dreg:$0x2] =	wrdreg s6  }
0xac: {  	[dreg:$0x3] =	wrdreg s7  }
0xad: {  	[dreg:$0x4] =	wrdreg $0xC0  }
0xae: {  	_ =	task [dreg:s10], $0x5FFFF  }
0xaf: {  	[dreg:$0x1] =	wrdreg $0xFFFFFFFF  }
0xb0: {  	[dreg:$0x0] =	wrdreg $0x60  }
0xb1: {  	[dreg:$0x2] =	wrdreg s2  }
0xb2: {  	[dreg:$0x3] =	wrdreg s19  }
0xb3: {  	[dreg:$0x4] =	wrdreg s4  }
0xb4: {  	[dreg:$0x5] =	wrdreg s5  }
0xb5: {  	[dreg:$0x6] =	wrdreg $0x80800  }
0xb6: {  	[dreg:$0x7] =	wrdreg $0x9  }
0xb7: {  	_ =	task.clear_ibuf [dreg:s10], $0x8FFFF;
	_ =	strace $0x90000046  }
0xb8: {  	s29 =	simm.s32 $0x9;
	_ =	strace $0x80000048  }
0xb9: {  	_ =	swait.ge [sflag:s29], $0x1  }
0xba: {  	[sflag:s29] =	ssyncadd.s32 $0xFFFFFFFF  }
0xbb: {  	_ =	strace $0x90000048  }
0xbc: {  	_ =	sfence  }
0xbd: {  	s30 =	sld [smem:$0x0];
	_ =	sdelay $0x2  }
0xbe: {  	s31 =	sshll.u32 s1, $0xD;
	s1 =	sshrl.u32 s1, $0x2  }
0xbf: {  	s3 =	sand.u32 $0x4000, s31;
	s1 =	sadd.s32 s1, s30  }
0xc0: {  	s0 =	sor.u32 s3, s0;
	s1 =	sshll.u32 s1, $0x11  }
0xc1: {  	s0 =	sor.u32 s1, s0  }
0xc2: {  	s0 =	sadd.s32 $0x8F2B, s0  }
0xc3: {  	[sflag:s0] =	ssyncadd.remote.s32 $0x1  }
0xc4: {  	_ =	sfence.sel $0xFFFF  }
0xc5: {  	[dreg:$0x0] =	wrdreg $0xFFFFFFFF;
	(pc) =	sbr.abs _section_cstart, $3  }
0xc6: {  	[dreg:$0x1] =	wrdreg $0xFFFFFFFF  }
0xc7: {  	_ =	task.clear_ibuf [dreg:s10], $0x2FFFF;
	_ =	strace $0x9FFFFFFF  }
0xc8: {  	(tm) =	ssettm $0x7FFFFFFF  }
0xc9: {  	_ =	shalt  }
tec
execute0_lowered:
.L_overlay_start_1:
0x0: {  	(tag) =	ssettag $0x1  }
0x1: {  	s1 =	rddreg [dreg:$0x0]  }
0x2: {  	s0 =	srdreg.scid;
	s2 =	rddreg [dreg:$0x1]  }
0x3: {  	s14 =	stileid.u32;
	s4 =	rddreg [dreg:$0x2]  }
0x4: {  	s8 =	rddreg [dreg:$0x3];
	s13 =	smul.u32 $0x1880, s14  }
0x5: {  	s5 =	rddreg [dreg:$0x4];
	s22 =	smul.u32 $0x31000, s14  }
0x6: {  	s0 =	sand.u32 $0x1, s0;
	s3 =	sshll.u32 s14, $0x1;
	s14 =	smul.u32 $0x30D4, s14  }
0x7: {  	s6 =	simm.s32 $0x0;
	s31 =	simm.s32 $0x6800;
	s23 =	smul.u32 $0x186A, s0  }
0x8: {  	s3 =	sor.u32 s0, s3;
	s9 =	ssub.s32 $0x2, s0;
	s0 =	smul.u32 $0x18800, s0  }
0x9: {  	[smem:$0x7FF] =	sst s6;
	s3 =	smul.u32 $0x186A, s3;
	s20 =	sshrl.u32 s9, $0x1  }
0xa: {  	_ =	strace $0x80000047;
	s8 =	sadd.s32 s8, s13;
	s9 =	ssub.s32 s9, s20  }
0xb: {  	s25 =	sadd.s32 s23, s14;
	s0 =	sadd.s32 s0, s8;
	s7 =	sadd.s32 $0x186A, s3  }
0xc: {  	s3 =	sshrl.u32 s3, $0x5;
	[dreg:$0xb] =	wrdreg s0;
	s26 =	sadd.s32 $0x186A, s25  }
0xd: {  	s29 =	sshrl.u32 s25, $0x5;
	s10 =	sshrl.u32 s7, $0x5;
	s7 =	sshll.u32 s3, $0xA  }
0xe: {  	s11 =	sshll.u32 s10, $0xA;
	s3 =	ssub.s32 s10, s3;
	s10 =	sshrl.u32 s22, $0x2  }
0xf: {  	s9 =	smax.u32 s9, $0x1;
	s28 =	sshrl.u32 s26, $0x2;
	s14 =	sadd.s32 s10, s5  }
0x10: {  	s0 =	sshrl.u32 s26, $0x5;
	[dreg:$0xc] =	wrdreg s9;
	s17 =	sadd.s32 $0x1880, s14  }
0x11: {  	s16 =	sshll.u32 s0, $0xF;
	s19 =	sadd.s32 $0x3100, s14;
	[dreg:$0xd] =	wrdreg s17  }
0x12: {  	s8 =	sand.u32 $0x3FFF8, s28;
	s20 =	sadd.s32 $0x4980, s14;
	[dreg:$0xe] =	wrdreg s19  }
0x13: {  	s12 =	sadd.s32 $0xFFFFF800, s11;
	s26 =	sadd.s32 $0x6200, s14;
	[dreg:$0xf] =	wrdreg s20  }
0x14: {  	s12 =	sshrl.u32 s12, $0x3;
	s28 =	sadd.s32 $0x7A80, s14;
	[dreg:$0x13] =	wrdreg s26  }
0x15: {  	s22 =	sshll.u32 s29, $0xA;
	s21 =	sadd.s32 s4, s12;
	[dreg:$0x14] =	wrdreg s28  }
0x16: {  	s11 =	sshrl.u32 s11, $0x3;
	s15 =	sadd.s32 s1, s12;
	[dreg:$0x6] =	wrdreg s21  }
0x17: {  	s11 =	sadd.s32 s2, s11;
	s12 =	sadd.s32 s2, s12;
	[dreg:$0x7] =	wrdreg s15  }
0x18: {  	s10 =	sshll.u32 s29, $0xC;
	s24 =	sadd.s32 $0xC3400, s11;
	[dreg:$0x8] =	wrdreg s12  }
0x19: {  	s30 =	sadd.s32 $0xAB80, s14;
	s11 =	sadd.s32 $0x186900, s11;
	[dreg:$0x9] =	wrdreg s24  }
0x1a: {  	[dreg:$0xa] =	wrdreg s11;
	s11 =	sshrl.u32 s25, $0x2;
	s15 =	sshll.u32 s29, $0xF  }
0x1b: {  	s21 =	sshll.u32 s0, $0xC;
	s0 =	sshll.u32 s0, $0xA;
	s29 =	sadd.s32 $0x9300, s14  }
0x1c: {  	s11 =	sand.u32 $0x1FFF8, s11;
	s12 =	ssub.s32 s15, s16;
	s0 =	ssub.s32 s22, s0  }
0x1d: {  	s23 =	ssub.s32 $0x0, s21;
	s24 =	ssub.s32 $0xC4000, s21;
	[dreg:$0x15] =	wrdreg s29  }
0x1e: {  	s18 =	sadd.s32 $0x620000, s12;
	s8 =	ssub.s32 s8, s11;
	s11 =	sshra.s32 s23, $0x2  }
0x1f: {  	s23 =	sadd.s32 $0x31000, s0;
	s0 =	simm.s32 $0x800;
	s12 =	simm.s32 $0x0  }
0x20: {  	s9 =	sshra.s32 s18, $0x2;
	s8 =	sadd.s32 $0xFFFFF9F0, s8;
	s18 =	sadd.s32 $0x800, s11  }
0x21: {  	s21 =	sadd.s32 $0x1000, s11;
	s11 =	simm.s32 $0x80;
	s9 =	sadd.s32 $0x2800, s9  }
.Ltmp0:
0x22: {  	p0 =	sgt.s32 s8, $0x1;
	[dreg:$0x10] =	wrdreg s9;
	(pc) =	sbr.rel .LBB2_1-.Ltmp0, $4  }
0x23: {  	s8 =	simm.s32 @!p0 $0x1;
	p0 =	slt.s32 s3, $0xC3;
	s3 =	sshra.s32 s24, $0x2  }
0x24: {  	s24 =	simm.s32 $0x2800;
	[dreg:$0x11] =	wrdreg s3;
	s25 =	ssub.s32 $0x0, s8  }
0x25: {  	v0 =	vlaneseq.u32;
	s9 =	simm.s32 $0x1800;
	[dreg:$0x12] =	wrdreg s25;
	s25 =	sshrl.u32 s10, $0x2  }
0x26: {  	v1 =	vimm.f32 $0.0e+00;
	v0 =	vmul.u32 $0x8, v0;
	s3 =	simm.s32 $0x1;
	s8 =	simm.s32 $0x1000;
	s10 =	simm.s32 $0x2000;
	v2 =	vmov s25  }
.LBB2_34:
0x27: {  	_ =	sdelay $0x1  }
0x28: {  	v3 =	vmul.f32 v5, v3;
	_ =	sdelay $0x1  }
0x29: {  	[tilespmem:v4+s24+$0x0] =	vst.idx.msk $0xffff, v3  }
0x2a: {  	[spmem:s5] =	stream.indirect.scatter.add.f32 [tilespmem:s22], [sflag:$0x1], $0x8, s26, s11, $0xb8;
	[tilespmem:$0x14480] =	vst v63  }
0x2b: {  	_ =	swait.ge [sflag:s3], $0x400  }
0x2c: {  	[sflag:s3] =	ssyncset.done $0x0  }
0x2d: {  	[sflag:s3] =	ssyncadd.s32 $0xFFFFFC00  }
.LBB2_35:
0x2e: {  	s13 =	stileid.u32  }
0x2f: {  	[bflag:$0x0] =	sbarrier.arrive $0xFFFF;
	s13 =	sshll.u32 s13, $0x6  }
0x30: {  	s15 =	sshrl.u32 s14, $0x3;
	s16 =	rddreg [dreg:$0xb];
	s13 =	sor.u32 $0x1C01, s13  }
0x31: {  	[hbm:s16], [sflag:s13] =	dma.local [spmem:s15], $0x1880  }
0x32: {  	_ =	swait.ge [sflag:s3], $0x1880  }
0x33: {  	s12 =	sadd.s32 $0x1, s12;
	s29 =	rddreg [dreg:$0xc]  }
0x34: {  	p1 =	sne.s32 s12, s29  }
.Ltmp1:
0x35: {  	_ = 	snop;
	(pc) =	sbr.rel @!p1 .LBB2_36-.Ltmp1, $3  }
0x36: {  	_ =	sdelay $0x1  }
0x37: {  	[sflag:s3] =	ssyncset.done $0x0  }
0x38: {  	[sflag:s3] =	ssyncadd.s32 $0xFFFFE780  }
.LBB2_1:
0x39: {  	v3 =	vmov s6  }
0x3a: {  	v3 =	vshll.u32 v3, $0x3  }
0x3b: {  	s13 =	simm.s32 $0x10;
	v4 =	vor.u32 v0, v3  }
.LBB2_2:
0x3c: {  	p1 =	sne.s32 s13, $0x300  }
.Ltmp2:
0x3d: {  	_ = 	snop;
	(pc) =	sbr.rel @p1 .LBB2_2-.Ltmp2, $4  }
0x3e: {  	_ = 	snop  }
0x3f: {  	v3 =	vmov s13;
	s13 =	sadd.s32 $0x10, s13  }
0x40: {  	v3 =	vshll.u32 v3, $0x3;
	[tilespmem:v4+s31+$0x0] =	vst.idx.msk $0xffff, v1  }
0x41: {  	v4 =	vor.u32 v0, v3  }
0x42: {  	s13 =	simm.s32 $0x0  }
0x43: {  	v3 =	vmov s13  }
0x44: {  	v3 =	vshll.u32 v3, $0x3  }
0x45: {  	v3 =	vor.u32 v0, v3  }
0x46: {  	[tilespmem:v4+s31+$0x0] =	vst.idx.msk $0xffff, v1;
	s13 =	simm.s32 $0x10;
	v4 =	vor.u32 $0x1, v3  }
.LBB2_4:
0x47: {  	p1 =	sne.s32 s13, $0x300  }
.Ltmp3:
0x48: {  	_ = 	snop;
	(pc) =	sbr.rel @p1 .LBB2_4-.Ltmp3, $4  }
0x49: {  	v5 =	vmov s13  }
0x4a: {  	v5 =	vshll.u32 v5, $0x3  }
0x4b: {  	v5 =	vor.u32 v0, v5  }
0x4c: {  	s13 =	sadd.s32 $0x10, s13;
	[tilespmem:v4+s31+$0x0] =	vst.idx.msk $0xffff, v1;
	v4 =	vor.u32 $0x1, v5  }
0x4d: {  	_ =	sdelay $0x3  }
0x4e: {  	[tilespmem:v4+s31+$0x0] =	vst.idx.msk $0xffff, v1;
	s13 =	simm.s32 $0x10;
	v4 =	vor.u32 $0x2, v3  }
.LBB2_6:
0x4f: {  	p1 =	sne.s32 s13, $0x300  }
.Ltmp4:
0x50: {  	_ = 	snop;
	(pc) =	sbr.rel @p1 .LBB2_6-.Ltmp4, $4  }
0x51: {  	v3 =	vmov s13  }
0x52: {  	v3 =	vshll.u32 v3, $0x3  }
0x53: {  	v3 =	vor.u32 v0, v3  }
0x54: {  	s13 =	sadd.s32 $0x10, s13;
	[tilespmem:v4+s31+$0x0] =	vst.idx.msk $0xffff, v1;
	v4 =	vor.u32 $0x2, v3  }
0x55: {  	s13 =	simm.s32 $0x0  }
0x56: {  	v3 =	vmov s13  }
0x57: {  	v3 =	vshll.u32 v3, $0x3  }
0x58: {  	v3 =	vor.u32 v0, v3  }
0x59: {  	[tilespmem:v4+s31+$0x0] =	vst.idx.msk $0xffff, v1;
	s13 =	simm.s32 $0x10;
	v4 =	vor.u32 $0x3, v3  }
.LBB2_8:
0x5a: {  	p1 =	sne.s32 s13, $0x300  }
.Ltmp5:
0x5b: {  	_ = 	snop;
	(pc) =	sbr.rel @p1 .LBB2_8-.Ltmp5, $4  }
0x5c: {  	v5 =	vmov s13  }
0x5d: {  	v5 =	vshll.u32 v5, $0x3  }
0x5e: {  	v5 =	vor.u32 v0, v5  }
0x5f: {  	s13 =	sadd.s32 $0x10, s13;
	[tilespmem:v4+s31+$0x0] =	vst.idx.msk $0xffff, v1;
	v4 =	vor.u32 $0x3, v5  }
0x60: {  	_ =	sdelay $0x3  }
0x61: {  	[tilespmem:v4+s31+$0x0] =	vst.idx.msk $0xffff, v1;
	s13 =	simm.s32 $0x10;
	v3 =	vor.u32 $0x4, v3  }
.LBB2_10:
0x62: {  	p1 =	sne.s32 s13, $0x300  }
.Ltmp6:
0x63: {  	_ = 	snop;
	(pc) =	sbr.rel @p1 .LBB2_10-.Ltmp6, $4  }
0x64: {  	v4 =	vmov s13  }
0x65: {  	v4 =	vshll.u32 v4, $0x3  }
0x66: {  	v4 =	vor.u32 v0, v4  }
0x67: {  	s13 =	sadd.s32 $0x10, s13;
	[tilespmem:v3+s31+$0x0] =	vst.idx.msk $0xffff, v1;
	v3 =	vor.u32 $0x4, v4  }
0x68: {  	s13 =	simm.s32 $0x0  }
0x69: {  	v4 =	vmov s13  }
0x6a: {  	v4 =	vshll.u32 v4, $0x3  }
0x6b: {  	v4 =	vor.u32 v0, v4  }
0x6c: {  	[tilespmem:v3+s31+$0x0] =	vst.idx.msk $0xffff, v1;
	s15 =	simm.s32 $0x10;
	v3 =	vor.u32 $0x5, v4  }
.LBB2_12:
0x6d: {  	p1 =	sne.s32 s15, $0x300  }
.Ltmp7:
0x6e: {  	_ = 	snop;
	(pc) =	sbr.rel @p1 .LBB2_12-.Ltmp7, $4  }
0x6f: {  	v4 =	vmov s15  }
0x70: {  	v4 =	vshll.u32 v4, $0x3  }
0x71: {  	v4 =	vor.u32 v0, v4  }
0x72: {  	s15 =	sadd.s32 $0x10, s15;
	[tilespmem:v3+s31+$0x0] =	vst.idx.msk $0xffff, v1;
	v3 =	vor.u32 $0x5, v4  }
0x73: {  	_ =	sdelay $0x3  }
0x74: {  	[tilespmem:v3+s31+$0x0] =	vst.idx.msk $0xffff, v1  }
.LBB2_14:
0x75: {  	v3 =	vmov s13  }
0x76: {  	v3 =	vshll.u32 v3, $0x3  }
0x77: {  	v3 =	vor.u32 v0, v3  }
0x78: {  	p1 =	seq.s32 s13, $0x300;
	v3 =	vor.u32 $0x6, v3  }
.Ltmp8:
0x79: {  	_ = 	snop;
	(pc) =	sbr.rel @!p1 .LBB2_14-.Ltmp8, $2  }
0x7a: {  	_ =	sdelay $0x2  }
0x7b: {  	s13 =	sadd.s32 $0x10, s13;
	[tilespmem:v3+s31+$0x0] =	vst.idx.msk $0xffff, v1  }
0x7c: {  	s13 =	simm.s32 $0x0  }
0x7d: {  	v3 =	vmov s13  }
0x7e: {  	v3 =	vshll.u32 v3, $0x3  }
0x7f: {  	v3 =	vor.u32 v0, v3  }
0x80: {  	s13 =	simm.s32 $0x10;
	v3 =	vor.u32 $0x7, v3  }
.LBB2_16:
0x81: {  	p1 =	seq.s32 s13, $0x300  }
.Ltmp9:
0x82: {  	_ = 	snop;
	(pc) =	sbr.rel @!p1 .LBB2_16-.Ltmp9, $4  }
0x83: {  	v4 =	vmov s13  }
0x84: {  	v4 =	vshll.u32 v4, $0x3  }
0x85: {  	v4 =	vor.u32 v0, v4  }
0x86: {  	s13 =	sadd.s32 $0x10, s13;
	[tilespmem:v3+s31+$0x0] =	vst.idx.msk $0xffff, v1;
	v3 =	vor.u32 $0x7, v4  }
0x87: {  	_ =	sdelay $0x3  }
0x88: {  	[tilespmem:v3+s31+$0x0] =	vst.idx.msk $0xffff, v1  }
0x89: {  	[spmem:s14] =	stream.linear.scatter [tilespmem:s31], [sflag:$0x1], $0x1880, $0x38;
	[tilespmem:$0x14480] =	vst v63  }
0x8a: {  	_ =	swait.ge [sflag:s3], $0x1880  }
0x8b: {  	[sflag:s3] =	ssyncset.done $0x0  }
0x8c: {  	s13 =	rddreg [dreg:$0xd];
	[sflag:s3] =	ssyncadd.s32 $0xFFFFE780  }
0x8d: {  	[spmem:s13] =	stream.linear.scatter [tilespmem:s31], [sflag:$0x1], $0x1880, $0x38;
	[tilespmem:$0x14480] =	vst v63  }
0x8e: {  	_ =	swait.ge [sflag:s3], $0x1880  }
0x8f: {  	[sflag:s3] =	ssyncset.done $0x0  }
0x90: {  	s19 =	rddreg [dreg:$0xe];
	[sflag:s3] =	ssyncadd.s32 $0xFFFFE780  }
0x91: {  	[spmem:s19] =	stream.linear.scatter [tilespmem:s31], [sflag:$0x1], $0x1880, $0x38;
	[tilespmem:$0x14480] =	vst v63  }
0x92: {  	_ =	swait.ge [sflag:s3], $0x1880  }
0x93: {  	[sflag:s3] =	ssyncset.done $0x0  }
0x94: {  	s20 =	rddreg [dreg:$0xf];
	[sflag:s3] =	ssyncadd.s32 $0xFFFFE780  }
0x95: {  	[spmem:s20] =	stream.linear.scatter [tilespmem:s31], [sflag:$0x1], $0x1880, $0x38;
	[tilespmem:$0x14480] =	vst v63  }
0x96: {  	_ =	swait.ge [sflag:s3], $0x1880  }
0x97: {  	[sflag:s3] =	ssyncset.done $0x0  }
0x98: {  	s22 =	rddreg [dreg:$0x13];
	[sflag:s3] =	ssyncadd.s32 $0xFFFFE780  }
0x99: {  	[spmem:s22] =	stream.linear.scatter [tilespmem:s31], [sflag:$0x1], $0x1880, $0x38;
	[tilespmem:$0x14480] =	vst v63  }
0x9a: {  	_ =	swait.ge [sflag:s3], $0x1880  }
0x9b: {  	[sflag:s3] =	ssyncset.done $0x0  }
0x9c: {  	s26 =	rddreg [dreg:$0x14];
	[sflag:s3] =	ssyncadd.s32 $0xFFFFE780  }
0x9d: {  	[spmem:s26] =	stream.linear.scatter [tilespmem:s31], [sflag:$0x1], $0x1880, $0x38;
	[tilespmem:$0x14480] =	vst v63  }
0x9e: {  	_ =	swait.ge [sflag:s3], $0x1880  }
0x9f: {  	[sflag:s3] =	ssyncset.done $0x0  }
0xa0: {  	s28 =	rddreg [dreg:$0x15];
	[sflag:s3] =	ssyncadd.s32 $0xFFFFE780  }
0xa1: {  	[spmem:s28] =	stream.linear.scatter [tilespmem:s31], [sflag:$0x1], $0x1880, $0x38;
	[tilespmem:$0x14480] =	vst v63  }
0xa2: {  	_ =	swait.ge [sflag:s3], $0x1880  }
0xa3: {  	[sflag:s3] =	ssyncset.done $0x0  }
0xa4: {  	s29 =	simm.s32 $0x0;
	[sflag:s3] =	ssyncadd.s32 $0xFFFFE780  }
0xa5: {  	[spmem:s30] =	stream.linear.scatter [tilespmem:s31], [sflag:$0x1], $0x1880, $0x38;
	[tilespmem:$0x14480] =	vst v63  }
0xa6: {  	v3 =	vmov s29;
	_ =	swait.ge [sflag:s3], $0x1880  }
0xa7: {  	v3 =	vshll.u32 v3, $0x3;
	[sflag:s3] =	ssyncset.done $0x0  }
0xa8: {  	v3 =	vor.u32 v0, v3;
	[sflag:s3] =	ssyncadd.s32 $0xFFFFE780  }
0xa9: {  	v4 =	vor.u32 $0x3, v3;
	s13 =	simm.s32 $0x10;
	[bflag:$0x0] =	sbarrier.arrive $0xFFFF  }
.LBB2_18:
0xaa: {  	p1 =	sne.s32 s13, $0x7F0  }
.Ltmp10:
0xab: {  	_ = 	snop;
	(pc) =	sbr.rel @p1 .LBB2_18-.Ltmp10, $4  }
0xac: {  	v5 =	vmov s13  }
0xad: {  	v5 =	vshll.u32 v5, $0x3  }
0xae: {  	v5 =	vor.u32 v0, v5  }
0xaf: {  	s13 =	sadd.s32 $0x10, s13;
	[tilespmem:v4+s24+$0x0] =	vst.idx.msk $0xffff, v1;
	v4 =	vor.u32 $0x3, v5  }
0xb0: {  	_ =	sdelay $0x3  }
0xb1: {  	[tilespmem:v4+s24+$0x0] =	vst.idx.msk $0xffff, v1;
	s13 =	simm.s32 $0x10;
	v4 =	vor.u32 $0x4, v3  }
.LBB2_20:
0xb2: {  	p1 =	sne.s32 s13, $0x7F0  }
.Ltmp11:
0xb3: {  	_ = 	snop;
	(pc) =	sbr.rel @p1 .LBB2_20-.Ltmp11, $4  }
0xb4: {  	v3 =	vmov s13  }
0xb5: {  	v3 =	vshll.u32 v3, $0x3  }
0xb6: {  	v3 =	vor.u32 v0, v3  }
0xb7: {  	s13 =	sadd.s32 $0x10, s13;
	[tilespmem:v4+s24+$0x0] =	vst.idx.msk $0xffff, v1;
	v4 =	vor.u32 $0x4, v3  }
0xb8: {  	s13 =	simm.s32 $0x0  }
0xb9: {  	v3 =	vmov s13  }
0xba: {  	v3 =	vshll.u32 v3, $0x3  }
0xbb: {  	v3 =	vor.u32 v0, v3  }
0xbc: {  	[tilespmem:v4+s24+$0x0] =	vst.idx.msk $0xffff, v1;
	s13 =	simm.s32 $0x10;
	v4 =	vor.u32 $0x5, v3  }
.LBB2_22:
0xbd: {  	p1 =	sne.s32 s13, $0x7F0  }
.Ltmp12:
0xbe: {  	_ = 	snop;
	(pc) =	sbr.rel @p1 .LBB2_22-.Ltmp12, $4  }
0xbf: {  	v5 =	vmov s13  }
0xc0: {  	v5 =	vshll.u32 v5, $0x3  }
0xc1: {  	v5 =	vor.u32 v0, v5  }
0xc2: {  	s13 =	sadd.s32 $0x10, s13;
	[tilespmem:v4+s24+$0x0] =	vst.idx.msk $0xffff, v1;
	v4 =	vor.u32 $0x5, v5  }
0xc3: {  	_ =	sdelay $0x3  }
0xc4: {  	[tilespmem:v4+s24+$0x0] =	vst.idx.msk $0xffff, v1;
	s13 =	simm.s32 $0x10;
	v3 =	vor.u32 $0x6, v3  }
.LBB2_24:
0xc5: {  	p1 =	sne.s32 s13, $0x7F0  }
.Ltmp13:
0xc6: {  	_ = 	snop;
	(pc) =	sbr.rel @p1 .LBB2_24-.Ltmp13, $4  }
0xc7: {  	v4 =	vmov s13  }
0xc8: {  	v4 =	vshll.u32 v4, $0x3  }
0xc9: {  	v4 =	vor.u32 v0, v4  }
0xca: {  	s13 =	sadd.s32 $0x10, s13;
	[tilespmem:v3+s24+$0x0] =	vst.idx.msk $0xffff, v1;
	v3 =	vor.u32 $0x6, v4  }
0xcb: {  	s13 =	simm.s32 $0x0  }
0xcc: {  	v4 =	vmov s13  }
0xcd: {  	v4 =	vshll.u32 v4, $0x3  }
0xce: {  	v4 =	vor.u32 v0, v4  }
0xcf: {  	[tilespmem:v3+s24+$0x0] =	vst.idx.msk $0xffff, v1;
	s15 =	simm.s32 $0x10;
	v3 =	vor.u32 $0x7, v4  }
.LBB2_26:
0xd0: {  	p1 =	sne.s32 s15, $0x7F0  }
.Ltmp14:
0xd1: {  	_ = 	snop;
	(pc) =	sbr.rel @p1 .LBB2_26-.Ltmp14, $4  }
0xd2: {  	v4 =	vmov s15  }
0xd3: {  	v4 =	vshll.u32 v4, $0x3  }
0xd4: {  	v4 =	vor.u32 v0, v4  }
0xd5: {  	s15 =	sadd.s32 $0x10, s15;
	[tilespmem:v3+s24+$0x0] =	vst.idx.msk $0xffff, v1;
	v3 =	vor.u32 $0x7, v4  }
0xd6: {  	_ =	sdelay $0x3  }
0xd7: {  	[tilespmem:v3+s24+$0x0] =	vst.idx.msk $0xffff, v1  }
.LBB2_28:
0xd8: {  	s15 =	sshll.u32 s13, $0xB  }
0xd9: {  	s15 =	sadd.s32 s7, s15  }
0xda: {  	s16 =	sshrl.u32 s15, $0x3  }
0xdb: {  	s15 =	simm.s32 $0x0;
	s17 =	sadd.s32 s4, s16  }
0xdc: {  	[tilespmem:s15], [sflag:$0x1] =	stream.linear.gather [hbm4b:s17+s15], $0x800, $0x38;
	[tilespmem:$0x14480] =	vst v63  }
0xdd: {  	_ =	swait.ge [sflag:s3], $0x800  }
0xde: {  	[sflag:s3] =	ssyncset.done $0x0  }
0xdf: {  	s22 =	sadd.s32 s1, s16;
	[sflag:s3] =	ssyncadd.s32 $0xFFFFF800  }
0xe0: {  	[tilespmem:s0], [sflag:$0x1] =	stream.linear.gather [hbm4b:s22+s15], $0x800, $0x38;
	[tilespmem:$0x14480] =	vst v63  }
0xe1: {  	_ =	swait.ge [sflag:s3], $0x800  }
0xe2: {  	[sflag:s3] =	ssyncset.done $0x0  }
0xe3: {  	s16 =	sadd.s32 s2, s16;
	[sflag:s3] =	ssyncadd.s32 $0xFFFFF800  }
0xe4: {  	[tilespmem:s8], [sflag:$0x1] =	stream.linear.gather [hbm4b:s16+s15], $0x800, $0x38;
	[tilespmem:$0x14480] =	vst v63  }
0xe5: {  	_ =	swait.ge [sflag:s3], $0x800  }
0xe6: {  	[sflag:s3] =	ssyncset.done $0x0  }
0xe7: {  	s26 =	sadd.s32 $0xC3500, s16;
	[sflag:s3] =	ssyncadd.s32 $0xFFFFF800  }
0xe8: {  	[tilespmem:s9], [sflag:$0x1] =	stream.linear.gather [hbm4b:s26+s15], $0x800, $0x38;
	[tilespmem:$0x14480] =	vst v63  }
0xe9: {  	_ =	swait.ge [sflag:s3], $0x800  }
0xea: {  	[sflag:s3] =	ssyncset.done $0x0  }
0xeb: {  	s16 =	sadd.s32 $0x186A00, s16;
	[sflag:s3] =	ssyncadd.s32 $0xFFFFF800  }
0xec: {  	[tilespmem:s10], [sflag:$0x1] =	stream.linear.gather [hbm4b:s16+s15], $0x800, $0x38;
	[tilespmem:$0x14480] =	vst v63  }
0xed: {  	_ =	swait.ge [sflag:s3], $0x800  }
0xee: {  	[sflag:s3] =	ssyncset.done $0x0  }
0xef: {  	s16 =	simm.s32 $0x1840;
	[sflag:s3] =	ssyncadd.s32 $0xFFFFF800  }
0xf0: {  	s19 =	simm.s32 $0x0;
	s17 =	simm.s32 $0x840;
	v3 =	vld [tilespmem:s16+$0xFFFFF7C0]  }
0xf1: {  	v5 =	vmov s19;
	v4 =	vld [tilespmem:s17+$0xFFFFFFC0]  }
0xf2: {  	v5 =	vshll.u32 v5, $0x3  }
0xf3: {  	v5 =	vor.u32 v0, v5;
	_ =	sdelay $0x2  }
0xf4: {  	v3 =	vmul.f32 v3, v4;
	_ =	sdelay $0x1  }
0xf5: {  	[tilespmem:v5+s24+$0x0] =	vst.idx.msk $0xffff, v3  }
0xf6: {  	v3 =	vld [tilespmem:s16+$0xFFFFFFC0];
	_ =	sdelay $0x1  }
0xf7: {  	v6 =	vor.u32 $0x1, v5;
	_ =	sdelay $0x2  }
0xf8: {  	v3 =	vmul.f32 v3, v4;
	_ =	sdelay $0x1  }
0xf9: {  	[tilespmem:v6+s24+$0x0] =	vst.idx.msk $0xffff, v3  }
0xfa: {  	v3 =	vld [tilespmem:s16+$0x7C0];
	_ =	sdelay $0x1  }
0xfb: {  	v5 =	vor.u32 $0x2, v5;
	_ =	sdelay $0x2  }
0xfc: {  	v3 =	vmul.f32 v3, v4;
	_ =	sdelay $0x1  }
0xfd: {  	[tilespmem:v5+s24+$0x0] =	vst.idx.msk $0xffff, v3  }
0xfe: {  	s28 =	simm.s32 $0x10;
	v3 =	vld [tilespmem:s17+$0xFFFFFFD0]  }
0xff: {  	v4 =	vmov s28;
	v5 =	vld [tilespmem:s16+$0xFFFFF7D0]  }
0x100: {  	v4 =	vshll.u32 v4, $0x3  }
0x101: {  	v4 =	vor.u32 v0, v4;
	_ =	sdelay $0x2  }
0x102: {  	v5 =	vmul.f32 v5, v3;
	_ =	sdelay $0x1  }
0x103: {  	[tilespmem:v4+s24+$0x0] =	vst.idx.msk $0xffff, v5  }
0x104: {  	v5 =	vld [tilespmem:s16+$0xFFFFFFD0];
	_ =	sdelay $0x1  }
0x105: {  	v6 =	vor.u32 $0x1, v4;
	_ =	sdelay $0x2  }
0x106: {  	v5 =	vmul.f32 v5, v3;
	_ =	sdelay $0x1  }
0x107: {  	[tilespmem:v6+s24+$0x0] =	vst.idx.msk $0xffff, v5  }
0x108: {  	v5 =	vld [tilespmem:s16+$0x7D0];
	_ =	sdelay $0x1  }
0x109: {  	v4 =	vor.u32 $0x2, v4;
	_ =	sdelay $0x2  }
0x10a: {  	v3 =	vmul.f32 v5, v3;
	_ =	sdelay $0x1  }
0x10b: {  	[tilespmem:v4+s24+$0x0] =	vst.idx.msk $0xffff, v3  }
0x10c: {  	s29 =	simm.s32 $0x20;
	v3 =	vld [tilespmem:s17+$0xFFFFFFE0]  }
0x10d: {  	v4 =	vmov s29;
	v5 =	vld [tilespmem:s16+$0xFFFFF7E0]  }
0x10e: {  	v4 =	vshll.u32 v4, $0x3  }
0x10f: {  	v4 =	vor.u32 v0, v4;
	_ =	sdelay $0x2  }
0x110: {  	v5 =	vmul.f32 v5, v3;
	_ =	sdelay $0x1  }
0x111: {  	[tilespmem:v4+s24+$0x0] =	vst.idx.msk $0xffff, v5  }
0x112: {  	v5 =	vld [tilespmem:s16+$0xFFFFFFE0];
	_ =	sdelay $0x1  }
0x113: {  	v6 =	vor.u32 $0x1, v4;
	_ =	sdelay $0x2  }
0x114: {  	v5 =	vmul.f32 v5, v3;
	_ =	sdelay $0x1  }
0x115: {  	[tilespmem:v6+s24+$0x0] =	vst.idx.msk $0xffff, v5  }
0x116: {  	v5 =	vld [tilespmem:s16+$0x7E0];
	_ =	sdelay $0x1  }
0x117: {  	v4 =	vor.u32 $0x2, v4;
	_ =	sdelay $0x2  }
0x118: {  	v3 =	vmul.f32 v5, v3;
	_ =	sdelay $0x1  }
0x119: {  	[tilespmem:v4+s24+$0x0] =	vst.idx.msk $0xffff, v3  }
0x11a: {  	s20 =	simm.s32 $0x30;
	v3 =	vld [tilespmem:s17+$0xFFFFFFF0]  }
0x11b: {  	v4 =	vmov s20;
	v5 =	vld [tilespmem:s16+$0xFFFFF7F0]  }
0x11c: {  	v4 =	vshll.u32 v4, $0x3  }
0x11d: {  	v4 =	vor.u32 v0, v4;
	_ =	sdelay $0x2  }
0x11e: {  	v5 =	vmul.f32 v5, v3;
	_ =	sdelay $0x1  }
0x11f: {  	[tilespmem:v4+s24+$0x0] =	vst.idx.msk $0xffff, v5  }
0x120: {  	v5 =	vld [tilespmem:s16+$0xFFFFFFF0];
	_ =	sdelay $0x1  }
0x121: {  	v6 =	vor.u32 $0x1, v4;
	_ =	sdelay $0x2  }
0x122: {  	v5 =	vmul.f32 v5, v3;
	_ =	sdelay $0x1  }
0x123: {  	[tilespmem:v6+s24+$0x0] =	vst.idx.msk $0xffff, v5  }
0x124: {  	v5 =	vld [tilespmem:s16+$0x7F0];
	_ =	sdelay $0x1  }
0x125: {  	v4 =	vor.u32 $0x2, v4;
	_ =	sdelay $0x2  }
0x126: {  	v3 =	vmul.f32 v5, v3;
	_ =	sdelay $0x1  }
0x127: {  	[tilespmem:v4+s24+$0x0] =	vst.idx.msk $0xffff, v3  }
0x128: {  	s22 =	simm.s32 $0x40;
	v3 =	vld [tilespmem:s17+$0x0]  }
0x129: {  	v4 =	vmov s22;
	v5 =	vld [tilespmem:s16+$0xFFFFF800]  }
0x12a: {  	v4 =	vshll.u32 v4, $0x3  }
0x12b: {  	v4 =	vor.u32 v0, v4;
	_ =	sdelay $0x2  }
0x12c: {  	v5 =	vmul.f32 v5, v3;
	_ =	sdelay $0x1  }
0x12d: {  	[tilespmem:v4+s24+$0x0] =	vst.idx.msk $0xffff, v5  }
0x12e: {  	v5 =	vld [tilespmem:s16+$0x0];
	_ =	sdelay $0x1  }
0x12f: {  	v6 =	vor.u32 $0x1, v4;
	_ =	sdelay $0x2  }
0x130: {  	v5 =	vmul.f32 v5, v3;
	_ =	sdelay $0x1  }
0x131: {  	[tilespmem:v6+s24+$0x0] =	vst.idx.msk $0xffff, v5  }
0x132: {  	v5 =	vld [tilespmem:s16+$0x800];
	_ =	sdelay $0x1  }
0x133: {  	v4 =	vor.u32 $0x2, v4;
	_ =	sdelay $0x2  }
0x134: {  	v3 =	vmul.f32 v5, v3;
	_ =	sdelay $0x1  }
0x135: {  	[tilespmem:v4+s24+$0x0] =	vst.idx.msk $0xffff, v3  }
0x136: {  	s26 =	simm.s32 $0x50;
	v3 =	vld [tilespmem:s17+$0x10]  }
0x137: {  	v4 =	vmov s26;
	v5 =	vld [tilespmem:s16+$0xFFFFF810]  }
0x138: {  	v4 =	vshll.u32 v4, $0x3  }
0x139: {  	v4 =	vor.u32 v0, v4;
	_ =	sdelay $0x2  }
0x13a: {  	v5 =	vmul.f32 v5, v3;
	_ =	sdelay $0x1  }
0x13b: {  	[tilespmem:v4+s24+$0x0] =	vst.idx.msk $0xffff, v5  }
0x13c: {  	v5 =	vld [tilespmem:s16+$0x10];
	_ =	sdelay $0x1  }
0x13d: {  	v6 =	vor.u32 $0x1, v4;
	_ =	sdelay $0x2  }
0x13e: {  	v5 =	vmul.f32 v5, v3;
	_ =	sdelay $0x1  }
0x13f: {  	[tilespmem:v6+s24+$0x0] =	vst.idx.msk $0xffff, v5  }
0x140: {  	v5 =	vld [tilespmem:s16+$0x810];
	_ =	sdelay $0x1  }
0x141: {  	v4 =	vor.u32 $0x2, v4;
	_ =	sdelay $0x2  }
0x142: {  	v3 =	vmul.f32 v5, v3;
	_ =	sdelay $0x1  }
0x143: {  	[tilespmem:v4+s24+$0x0] =	vst.idx.msk $0xffff, v3  }
0x144: {  	s28 =	simm.s32 $0x60;
	v3 =	vld [tilespmem:s17+$0x20]  }
0x145: {  	v4 =	vmov s28;
	v5 =	vld [tilespmem:s16+$0xFFFFF820]  }
0x146: {  	v4 =	vshll.u32 v4, $0x3  }
0x147: {  	v4 =	vor.u32 v0, v4;
	_ =	sdelay $0x2  }
0x148: {  	v5 =	vmul.f32 v5, v3;
	_ =	sdelay $0x1  }
0x149: {  	[tilespmem:v4+s24+$0x0] =	vst.idx.msk $0xffff, v5  }
0x14a: {  	v5 =	vld [tilespmem:s16+$0x20];
	_ =	sdelay $0x1  }
0x14b: {  	v6 =	vor.u32 $0x1, v4;
	_ =	sdelay $0x2  }
0x14c: {  	v5 =	vmul.f32 v5, v3;
	_ =	sdelay $0x1  }
0x14d: {  	[tilespmem:v6+s24+$0x0] =	vst.idx.msk $0xffff, v5  }
0x14e: {  	v5 =	vld [tilespmem:s16+$0x820];
	_ =	sdelay $0x1  }
0x14f: {  	v4 =	vor.u32 $0x2, v4;
	_ =	sdelay $0x2  }
0x150: {  	v3 =	vmul.f32 v5, v3;
	_ =	sdelay $0x1  }
0x151: {  	[tilespmem:v4+s24+$0x0] =	vst.idx.msk $0xffff, v3  }
0x152: {  	s29 =	simm.s32 $0x70;
	v3 =	vld [tilespmem:s17+$0x30]  }
0x153: {  	v4 =	vmov s29;
	v5 =	vld [tilespmem:s16+$0xFFFFF830]  }
0x154: {  	v4 =	vshll.u32 v4, $0x3  }
0x155: {  	v4 =	vor.u32 v0, v4;
	_ =	sdelay $0x2  }
0x156: {  	v5 =	vmul.f32 v5, v3;
	_ =	sdelay $0x1  }
0x157: {  	[tilespmem:v4+s24+$0x0] =	vst.idx.msk $0xffff, v5  }
0x158: {  	v5 =	vld [tilespmem:s16+$0x30];
	_ =	sdelay $0x1  }
0x159: {  	v6 =	vor.u32 $0x1, v4;
	_ =	sdelay $0x2  }
0x15a: {  	v5 =	vmul.f32 v5, v3;
	_ =	sdelay $0x1  }
0x15b: {  	[tilespmem:v6+s24+$0x0] =	vst.idx.msk $0xffff, v5  }
0x15c: {  	v5 =	vld [tilespmem:s16+$0x830];
	_ =	sdelay $0x1  }
0x15d: {  	s19 =	simm.s32 $0xF0;
	s20 =	simm.s32 $0x8C0;
	v4 =	vor.u32 $0x2, v4  }
0x15e: {  	s22 =	simm.s32 $0x2800;
	s26 =	simm.s32 $0x0;
	s17 =	simm.s32 $0x2800  }
.LBB2_29:
0x15f: {  	s17 =	sadd.s32 $0x400, s17;
	s15 =	sadd.s32 $0x80, s15;
	s16 =	sadd.s32 $0x80, s16  }
0x160: {  	p1 =	sne.s32 s19, $0x7F0;
	s28 =	smov.u32 s19;
	s19 =	sadd.s32 $0x80, s19;
	v3 =	vmul.f32 v5, v3  }
0x161: {  	_ = 	snop  }
0x162: {  	[tilespmem:v4+s24+$0x0] =	vst.idx.msk $0xffff, v3  }
0x163: {  	[spmem:s5] =	stream.indirect.scatter.add.f32 [tilespmem:s22], [sflag:$0x1], $0x8, s26, s11, $0xb8;
	[tilespmem:$0x14480] =	vst v63  }
0x164: {  	s22 =	smov.u32 s17;
	s26 =	smov.u32 s15;
	_ =	swait.ge [sflag:s3], $0x400  }
0x165: {  	[sflag:s3] =	ssyncset.done $0x0  }
0x166: {  	[sflag:s3] =	ssyncadd.s32 $0xFFFFFC00  }
0x167: {  	s29 =	sadd.s32 $0xFFFFFF90, s28;
	v3 =	vld [tilespmem:s16+$0xFFFFF7C0]  }
0x168: {  	v5 =	vmov s29;
	v4 =	vld [tilespmem:s20+$0xFFFFFFC0]  }
0x169: {  	v5 =	vshll.u32 v5, $0x3  }
0x16a: {  	v5 =	vor.u32 v0, v5;
	_ =	sdelay $0x2  }
0x16b: {  	v3 =	vmul.f32 v3, v4;
	_ =	sdelay $0x1  }
0x16c: {  	[tilespmem:v5+s24+$0x0] =	vst.idx.msk $0xffff, v3  }
0x16d: {  	v3 =	vld [tilespmem:s16+$0xFFFFFFC0];
	_ =	sdelay $0x1  }
0x16e: {  	v6 =	vor.u32 $0x1, v5;
	_ =	sdelay $0x2  }
0x16f: {  	v3 =	vmul.f32 v3, v4;
	_ =	sdelay $0x1  }
0x170: {  	[tilespmem:v6+s24+$0x0] =	vst.idx.msk $0xffff, v3  }
0x171: {  	v3 =	vld [tilespmem:s16+$0x7C0];
	_ =	sdelay $0x1  }
0x172: {  	v5 =	vor.u32 $0x2, v5;
	_ =	sdelay $0x2  }
0x173: {  	v3 =	vmul.f32 v3, v4;
	_ =	sdelay $0x1  }
0x174: {  	s29 =	sadd.s32 $0xFFFFFFA0, s28;
	[tilespmem:v5+s24+$0x0] =	vst.idx.msk $0xffff, v3  }
0x175: {  	v4 =	vmov s29;
	v3 =	vld [tilespmem:s20+$0xFFFFFFD0]  }
0x176: {  	v4 =	vshll.u32 v4, $0x3;
	v5 =	vld [tilespmem:s16+$0xFFFFF7D0]  }
0x177: {  	v4 =	vor.u32 v0, v4;
	_ =	sdelay $0x3  }
0x178: {  	v5 =	vmul.f32 v5, v3;
	_ =	sdelay $0x1  }
0x179: {  	[tilespmem:v4+s24+$0x0] =	vst.idx.msk $0xffff, v5  }
0x17a: {  	v5 =	vld [tilespmem:s16+$0xFFFFFFD0]  }
0x17b: {  	v6 =	vor.u32 $0x1, v4;
	_ =	sdelay $0x3  }
0x17c: {  	v5 =	vmul.f32 v5, v3;
	_ =	sdelay $0x1  }
0x17d: {  	[tilespmem:v6+s24+$0x0] =	vst.idx.msk $0xffff, v5  }
0x17e: {  	v5 =	vld [tilespmem:s16+$0x7D0]  }
0x17f: {  	v4 =	vor.u32 $0x2, v4;
	_ =	sdelay $0x3  }
0x180: {  	v3 =	vmul.f32 v5, v3  }
0x181: {  	s29 =	sadd.s32 $0xFFFFFFB0, s28  }
0x182: {  	[tilespmem:v4+s24+$0x0] =	vst.idx.msk $0xffff, v3;
	v3 =	vmov s29  }
0x183: {  	v4 =	vld [tilespmem:s20+$0xFFFFFFE0];
	v3 =	vshll.u32 v3, $0x3  }
0x184: {  	v5 =	vld [tilespmem:s16+$0xFFFFF7E0];
	v3 =	vor.u32 v0, v3;
	_ =	sdelay $0x4  }
0x185: {  	v5 =	vmul.f32 v5, v4;
	_ =	sdelay $0x1  }
0x186: {  	[tilespmem:v3+s24+$0x0] =	vst.idx.msk $0xffff, v5  }
0x187: {  	v6 =	vor.u32 $0x1, v3;
	v5 =	vld [tilespmem:s16+$0xFFFFFFE0];
	_ =	sdelay $0x4  }
0x188: {  	v5 =	vmul.f32 v5, v4;
	_ =	sdelay $0x1  }
0x189: {  	[tilespmem:v6+s24+$0x0] =	vst.idx.msk $0xffff, v5  }
0x18a: {  	v3 =	vor.u32 $0x2, v3;
	v5 =	vld [tilespmem:s16+$0x7E0];
	_ =	sdelay $0x4  }
0x18b: {  	s29 =	sadd.s32 $0xFFFFFFC0, s28;
	v4 =	vmul.f32 v5, v4  }
0x18c: {  	v5 =	vmov s29  }
0x18d: {  	[tilespmem:v3+s24+$0x0] =	vst.idx.msk $0xffff, v4;
	v3 =	vshll.u32 v5, $0x3  }
0x18e: {  	v4 =	vld [tilespmem:s20+$0xFFFFFFF0];
	v3 =	vor.u32 v0, v3  }
0x18f: {  	v5 =	vld [tilespmem:s16+$0xFFFFF7F0];
	_ =	sdelay $0x4  }
0x190: {  	v5 =	vmul.f32 v5, v4;
	_ =	sdelay $0x1  }
0x191: {  	[tilespmem:v3+s24+$0x0] =	vst.idx.msk $0xffff, v5;
	v5 =	vor.u32 $0x1, v3  }
0x192: {  	v6 =	vld [tilespmem:s16+$0xFFFFFFF0];
	_ =	sdelay $0x4  }
0x193: {  	v6 =	vmul.f32 v6, v4;
	_ =	sdelay $0x1  }
0x194: {  	v3 =	vor.u32 $0x2, v3;
	[tilespmem:v5+s24+$0x0] =	vst.idx.msk $0xffff, v6  }
0x195: {  	v5 =	vld [tilespmem:s16+$0x7F0];
	_ =	sdelay $0x3  }
0x196: {  	s29 =	sadd.s32 $0xFFFFFFD0, s28  }
0x197: {  	v4 =	vmul.f32 v5, v4;
	v5 =	vmov s29  }
0x198: {  	v5 =	vshll.u32 v5, $0x3  }
0x199: {  	[tilespmem:v3+s24+$0x0] =	vst.idx.msk $0xffff, v4;
	v3 =	vor.u32 v0, v5  }
0x19a: {  	v4 =	vld [tilespmem:s20+$0x0]  }
0x19b: {  	v5 =	vld [tilespmem:s16+$0xFFFFF800];
	_ =	sdelay $0x4  }
0x19c: {  	v5 =	vmul.f32 v5, v4  }
0x19d: {  	v6 =	vor.u32 $0x1, v3  }
0x19e: {  	[tilespmem:v3+s24+$0x0] =	vst.idx.msk $0xffff, v5  }
0x19f: {  	v5 =	vld [tilespmem:s16+$0x0];
	_ =	sdelay $0x4  }
0x1a0: {  	v5 =	vmul.f32 v5, v4  }
0x1a1: {  	v3 =	vor.u32 $0x2, v3  }
0x1a2: {  	[tilespmem:v6+s24+$0x0] =	vst.idx.msk $0xffff, v5  }
0x1a3: {  	v5 =	vld [tilespmem:s16+$0x800];
	_ =	sdelay $0x2  }
0x1a4: {  	s29 =	sadd.s32 $0xFFFFFFE0, s28  }
0x1a5: {  	v6 =	vmov s29  }
0x1a6: {  	v4 =	vmul.f32 v5, v4;
	v5 =	vshll.u32 v6, $0x3  }
0x1a7: {  	v5 =	vor.u32 v0, v5  }
0x1a8: {  	[tilespmem:v3+s24+$0x0] =	vst.idx.msk $0xffff, v4  }
0x1a9: {  	v3 =	vld [tilespmem:s20+$0x10]  }
0x1aa: {  	v4 =	vld [tilespmem:s16+$0xFFFFF810];
	_ =	sdelay $0x4  }
0x1ab: {  	v6 =	vor.u32 $0x1, v5;
	v4 =	vmul.f32 v4, v3;
	_ =	sdelay $0x1  }
0x1ac: {  	[tilespmem:v5+s24+$0x0] =	vst.idx.msk $0xffff, v4  }
0x1ad: {  	v4 =	vld [tilespmem:s16+$0x10];
	_ =	sdelay $0x4  }
0x1ae: {  	v5 =	vor.u32 $0x2, v5;
	v4 =	vmul.f32 v4, v3;
	_ =	sdelay $0x1  }
0x1af: {  	[tilespmem:v6+s24+$0x0] =	vst.idx.msk $0xffff, v4  }
0x1b0: {  	v4 =	vld [tilespmem:s16+$0x810];
	_ =	sdelay $0x1  }
0x1b1: {  	s29 =	sadd.s32 $0xFFFFFFF0, s28  }
0x1b2: {  	v6 =	vmov s29  }
0x1b3: {  	v6 =	vshll.u32 v6, $0x3  }
0x1b4: {  	v3 =	vmul.f32 v4, v3;
	v4 =	vor.u32 v0, v6;
	_ =	sdelay $0x1  }
0x1b5: {  	[tilespmem:v5+s24+$0x0] =	vst.idx.msk $0xffff, v3  }
0x1b6: {  	v3 =	vld [tilespmem:s20+$0x20]  }
0x1b7: {  	v5 =	vld [tilespmem:s16+$0xFFFFF820];
	_ =	sdelay $0x3  }
0x1b8: {  	v6 =	vor.u32 $0x1, v4  }
0x1b9: {  	v5 =	vmul.f32 v5, v3;
	_ =	sdelay $0x1  }
0x1ba: {  	[tilespmem:v4+s24+$0x0] =	vst.idx.msk $0xffff, v5  }
0x1bb: {  	v5 =	vld [tilespmem:s16+$0x20];
	_ =	sdelay $0x3  }
0x1bc: {  	v4 =	vor.u32 $0x2, v4  }
0x1bd: {  	v5 =	vmul.f32 v5, v3;
	_ =	sdelay $0x1  }
0x1be: {  	[tilespmem:v6+s24+$0x0] =	vst.idx.msk $0xffff, v5  }
0x1bf: {  	v5 =	vld [tilespmem:s16+$0x820];
	_ =	sdelay $0x1  }
0x1c0: {  	v6 =	vmov s28  }
0x1c1: {  	v6 =	vshll.u32 v6, $0x3  }
0x1c2: {  	v6 =	vor.u32 v0, v6  }
0x1c3: {  	v3 =	vmul.f32 v5, v3;
	_ =	sdelay $0x1  }
0x1c4: {  	[tilespmem:v4+s24+$0x0] =	vst.idx.msk $0xffff, v3  }
0x1c5: {  	v3 =	vld [tilespmem:s20+$0x30]  }
0x1c6: {  	v4 =	vld [tilespmem:s16+$0xFFFFF830];
	_ =	sdelay $0x2  }
0x1c7: {  	v5 =	vor.u32 $0x1, v6;
	_ =	sdelay $0x1  }
0x1c8: {  	v4 =	vmul.f32 v4, v3;
	_ =	sdelay $0x1  }
0x1c9: {  	[tilespmem:v6+s24+$0x0] =	vst.idx.msk $0xffff, v4  }
0x1ca: {  	v7 =	vld [tilespmem:s16+$0x30];
	_ =	sdelay $0x2  }
0x1cb: {  	v4 =	vor.u32 $0x2, v6;
	_ =	sdelay $0x1  }
0x1cc: {  	v6 =	vmul.f32 v7, v3;
	_ =	sdelay $0x1  }
.Ltmp15:
0x1cd: {  	[tilespmem:v5+s24+$0x0] =	vst.idx.msk $0xffff, v6;
	(pc) =	sbr.rel @p1 .LBB2_29-.Ltmp15, $2  }
0x1ce: {  	v5 =	vld [tilespmem:s16+$0x830];
	_ =	sdelay $0x2  }
0x1cf: {  	s20 =	sadd.s32 $0x80, s20  }
0x1d0: {  	_ =	sdelay $0x1  }
0x1d1: {  	s13 =	sadd.s32 $0x1, s13;
	v3 =	vmul.f32 v5, v3  }
0x1d2: {  	p1 =	sne.s32 s13, $0x61  }
.Ltmp16:
0x1d3: {  	[tilespmem:v4+s24+$0x0] =	vst.idx.msk $0xffff, v3;
	(pc) =	sbr.rel @p1 .LBB2_28-.Ltmp16, $4  }
0x1d4: {  	[spmem:s5] =	stream.indirect.scatter.add.f32 [tilespmem:s22], [sflag:$0x1], $0x8, s26, s11, $0xb8;
	[tilespmem:$0x14480] =	vst v63  }
0x1d5: {  	_ =	swait.ge [sflag:s3], $0x400  }
0x1d6: {  	[sflag:s3] =	ssyncset.done $0x0  }
0x1d7: {  	[sflag:s3] =	ssyncadd.s32 $0xFFFFFC00  }
0x1d8: {  	s13 =	rddreg [dreg:$0x6]  }
0x1d9: {  	[tilespmem:s6], [sflag:$0x1] =	stream.linear.gather [hbm4b:s13+s6], $0x800, $0x38;
	[tilespmem:$0x14480] =	vst v63  }
0x1da: {  	_ =	swait.ge [sflag:s3], $0x800  }
0x1db: {  	[sflag:s3] =	ssyncset.done $0x0  }
0x1dc: {  	s22 =	rddreg [dreg:$0x7];
	[sflag:s3] =	ssyncadd.s32 $0xFFFFF800  }
0x1dd: {  	[tilespmem:s0], [sflag:$0x1] =	stream.linear.gather [hbm4b:s22+s6], $0x800, $0x38;
	[tilespmem:$0x14480] =	vst v63  }
0x1de: {  	_ =	swait.ge [sflag:s3], $0x800  }
0x1df: {  	[sflag:s3] =	ssyncset.done $0x0  }
0x1e0: {  	s26 =	rddreg [dreg:$0x8];
	[sflag:s3] =	ssyncadd.s32 $0xFFFFF800  }
0x1e1: {  	[tilespmem:s8], [sflag:$0x1] =	stream.linear.gather [hbm4b:s26+s6], $0x800, $0x38;
	[tilespmem:$0x14480] =	vst v63  }
0x1e2: {  	_ =	swait.ge [sflag:s3], $0x800  }
0x1e3: {  	[sflag:s3] =	ssyncset.done $0x0  }
0x1e4: {  	s28 =	rddreg [dreg:$0x9];
	[sflag:s3] =	ssyncadd.s32 $0xFFFFF800  }
0x1e5: {  	[tilespmem:s9], [sflag:$0x1] =	stream.linear.gather [hbm4b:s28+s6], $0x800, $0x38;
	[tilespmem:$0x14480] =	vst v63  }
0x1e6: {  	_ =	swait.ge [sflag:s3], $0x800  }
0x1e7: {  	[sflag:s3] =	ssyncset.done $0x0  }
.Ltmp17:
0x1e8: {  	s29 =	rddreg [dreg:$0xa];
	[sflag:s3] =	ssyncadd.s32 $0xFFFFF800;
	(pc) =	sbr.rel @p0 .LBB2_35-.Ltmp17, $4  }
0x1e9: {  	[tilespmem:s10], [sflag:$0x1] =	stream.linear.gather [hbm4b:s29+s6], $0x800, $0x38;
	[tilespmem:$0x14480] =	vst v63  }
0x1ea: {  	_ =	swait.ge [sflag:s3], $0x800  }
0x1eb: {  	[sflag:s3] =	ssyncset.done $0x0  }
0x1ec: {  	[sflag:s3] =	ssyncadd.s32 $0xFFFFF800  }
0x1ed: {  	_ =	sdelay $0x3  }
0x1ee: {  	v3 =	vld.idx.msk [tilespmem:v2+s18+$0x31000 ss:$0x1], $0xffff  }
0x1ef: {  	v4 =	vld.idx.msk [tilespmem:v2+s21+$0x31000 ss:$0x1], $0xffff;
	v5 =	vmov s23  }
0x1f0: {  	v5 =	vshll.u32 v5, $0x3  }
0x1f1: {  	v5 =	vor.u32 v0, v5;
	_ =	sdelay $0x2  }
0x1f2: {  	v4 =	vmul.f32 v4, v3;
	_ =	sdelay $0x1  }
0x1f3: {  	[tilespmem:v5+s24+$0x0] =	vst.idx.msk $0xffff, v4  }
0x1f4: {  	v4 =	vld.idx.msk [tilespmem:v2+s21+$0x31800 ss:$0x1], $0xffff;
	_ =	sdelay $0x1  }
0x1f5: {  	v6 =	vor.u32 $0x1, v5;
	_ =	sdelay $0x2  }
0x1f6: {  	v4 =	vmul.f32 v4, v3;
	_ =	sdelay $0x1  }
0x1f7: {  	[tilespmem:v6+s24+$0x0] =	vst.idx.msk $0xffff, v4  }
0x1f8: {  	v4 =	vld.idx.msk [tilespmem:v2+s21+$0x32000 ss:$0x1], $0xffff;
	_ =	sdelay $0x1  }
0x1f9: {  	v5 =	vor.u32 $0x2, v5;
	_ =	sdelay $0x2  }
0x1fa: {  	v3 =	vmul.f32 v4, v3;
	_ =	sdelay $0x1  }
0x1fb: {  	[tilespmem:v5+s24+$0x0] =	vst.idx.msk $0xffff, v3  }
0x1fc: {  	s13 =	sadd.s32 $0x10, s23;
	v3 =	vld.idx.msk [tilespmem:v2+s18+$0x31010 ss:$0x1], $0xffff  }
0x1fd: {  	v4 =	vmov s13;
	v5 =	vld.idx.msk [tilespmem:v2+s21+$0x31010 ss:$0x1], $0xffff  }
0x1fe: {  	v4 =	vshll.u32 v4, $0x3  }
0x1ff: {  	v4 =	vor.u32 v0, v4;
	_ =	sdelay $0x2  }
0x200: {  	v5 =	vmul.f32 v5, v3;
	_ =	sdelay $0x1  }
0x201: {  	[tilespmem:v4+s24+$0x0] =	vst.idx.msk $0xffff, v5  }
0x202: {  	v5 =	vld.idx.msk [tilespmem:v2+s21+$0x31810 ss:$0x1], $0xffff;
	_ =	sdelay $0x1  }
0x203: {  	v6 =	vor.u32 $0x1, v4;
	_ =	sdelay $0x2  }
0x204: {  	v5 =	vmul.f32 v5, v3;
	_ =	sdelay $0x1  }
0x205: {  	[tilespmem:v6+s24+$0x0] =	vst.idx.msk $0xffff, v5  }
0x206: {  	v5 =	vld.idx.msk [tilespmem:v2+s21+$0x32010 ss:$0x1], $0xffff;
	_ =	sdelay $0x1  }
0x207: {  	v4 =	vor.u32 $0x2, v4;
	_ =	sdelay $0x2  }
0x208: {  	v3 =	vmul.f32 v5, v3;
	_ =	sdelay $0x1  }
0x209: {  	[tilespmem:v4+s24+$0x0] =	vst.idx.msk $0xffff, v3  }
0x20a: {  	s17 =	sadd.s32 $0x20, s23;
	v3 =	vld.idx.msk [tilespmem:v2+s18+$0x31020 ss:$0x1], $0xffff  }
0x20b: {  	v4 =	vmov s17;
	v5 =	vld.idx.msk [tilespmem:v2+s21+$0x31020 ss:$0x1], $0xffff  }
0x20c: {  	v4 =	vshll.u32 v4, $0x3  }
0x20d: {  	v4 =	vor.u32 v0, v4;
	_ =	sdelay $0x2  }
0x20e: {  	v5 =	vmul.f32 v5, v3;
	_ =	sdelay $0x1  }
0x20f: {  	[tilespmem:v4+s24+$0x0] =	vst.idx.msk $0xffff, v5  }
0x210: {  	v5 =	vld.idx.msk [tilespmem:v2+s21+$0x31820 ss:$0x1], $0xffff;
	_ =	sdelay $0x1  }
0x211: {  	v6 =	vor.u32 $0x1, v4;
	_ =	sdelay $0x2  }
0x212: {  	v5 =	vmul.f32 v5, v3;
	_ =	sdelay $0x1  }
0x213: {  	[tilespmem:v6+s24+$0x0] =	vst.idx.msk $0xffff, v5  }
0x214: {  	v5 =	vld.idx.msk [tilespmem:v2+s21+$0x32020 ss:$0x1], $0xffff;
	_ =	sdelay $0x1  }
0x215: {  	v4 =	vor.u32 $0x2, v4;
	_ =	sdelay $0x2  }
0x216: {  	v3 =	vmul.f32 v5, v3;
	_ =	sdelay $0x1  }
0x217: {  	[tilespmem:v4+s24+$0x0] =	vst.idx.msk $0xffff, v3  }
0x218: {  	s19 =	sadd.s32 $0x30, s23;
	v3 =	vld.idx.msk [tilespmem:v2+s18+$0x31030 ss:$0x1], $0xffff  }
0x219: {  	v4 =	vmov s19;
	v5 =	vld.idx.msk [tilespmem:v2+s21+$0x31030 ss:$0x1], $0xffff  }
0x21a: {  	v4 =	vshll.u32 v4, $0x3  }
0x21b: {  	v4 =	vor.u32 v0, v4;
	_ =	sdelay $0x2  }
0x21c: {  	v5 =	vmul.f32 v5, v3;
	_ =	sdelay $0x1  }
0x21d: {  	[tilespmem:v4+s24+$0x0] =	vst.idx.msk $0xffff, v5  }
0x21e: {  	v5 =	vld.idx.msk [tilespmem:v2+s21+$0x31830 ss:$0x1], $0xffff;
	_ =	sdelay $0x1  }
0x21f: {  	v6 =	vor.u32 $0x1, v4;
	_ =	sdelay $0x2  }
0x220: {  	v5 =	vmul.f32 v5, v3;
	_ =	sdelay $0x1  }
0x221: {  	[tilespmem:v6+s24+$0x0] =	vst.idx.msk $0xffff, v5  }
0x222: {  	v5 =	vld.idx.msk [tilespmem:v2+s21+$0x32030 ss:$0x1], $0xffff;
	_ =	sdelay $0x1  }
0x223: {  	v4 =	vor.u32 $0x2, v4;
	_ =	sdelay $0x2  }
0x224: {  	v3 =	vmul.f32 v5, v3;
	_ =	sdelay $0x1  }
0x225: {  	[tilespmem:v4+s24+$0x0] =	vst.idx.msk $0xffff, v3  }
0x226: {  	s20 =	sadd.s32 $0x40, s23;
	v3 =	vld.idx.msk [tilespmem:v2+s18+$0x31040 ss:$0x1], $0xffff  }
0x227: {  	v4 =	vmov s20;
	v5 =	vld.idx.msk [tilespmem:v2+s21+$0x31040 ss:$0x1], $0xffff  }
0x228: {  	v4 =	vshll.u32 v4, $0x3  }
0x229: {  	v4 =	vor.u32 v0, v4;
	_ =	sdelay $0x2  }
0x22a: {  	v5 =	vmul.f32 v5, v3;
	_ =	sdelay $0x1  }
0x22b: {  	[tilespmem:v4+s24+$0x0] =	vst.idx.msk $0xffff, v5  }
0x22c: {  	v5 =	vld.idx.msk [tilespmem:v2+s21+$0x31840 ss:$0x1], $0xffff;
	_ =	sdelay $0x1  }
0x22d: {  	v6 =	vor.u32 $0x1, v4;
	_ =	sdelay $0x2  }
0x22e: {  	v5 =	vmul.f32 v5, v3;
	_ =	sdelay $0x1  }
0x22f: {  	[tilespmem:v6+s24+$0x0] =	vst.idx.msk $0xffff, v5  }
0x230: {  	v5 =	vld.idx.msk [tilespmem:v2+s21+$0x32040 ss:$0x1], $0xffff;
	_ =	sdelay $0x1  }
0x231: {  	v4 =	vor.u32 $0x2, v4;
	_ =	sdelay $0x2  }
0x232: {  	v3 =	vmul.f32 v5, v3;
	_ =	sdelay $0x1  }
0x233: {  	[tilespmem:v4+s24+$0x0] =	vst.idx.msk $0xffff, v3  }
0x234: {  	s22 =	sadd.s32 $0x50, s23;
	v3 =	vld.idx.msk [tilespmem:v2+s18+$0x31050 ss:$0x1], $0xffff  }
0x235: {  	v4 =	vmov s22;
	v5 =	vld.idx.msk [tilespmem:v2+s21+$0x31050 ss:$0x1], $0xffff  }
0x236: {  	v4 =	vshll.u32 v4, $0x3  }
0x237: {  	v4 =	vor.u32 v0, v4;
	_ =	sdelay $0x2  }
0x238: {  	v5 =	vmul.f32 v5, v3;
	_ =	sdelay $0x1  }
0x239: {  	[tilespmem:v4+s24+$0x0] =	vst.idx.msk $0xffff, v5  }
0x23a: {  	v5 =	vld.idx.msk [tilespmem:v2+s21+$0x31850 ss:$0x1], $0xffff;
	_ =	sdelay $0x1  }
0x23b: {  	v6 =	vor.u32 $0x1, v4;
	_ =	sdelay $0x2  }
0x23c: {  	v5 =	vmul.f32 v5, v3;
	_ =	sdelay $0x1  }
0x23d: {  	[tilespmem:v6+s24+$0x0] =	vst.idx.msk $0xffff, v5  }
0x23e: {  	v5 =	vld.idx.msk [tilespmem:v2+s21+$0x32050 ss:$0x1], $0xffff;
	_ =	sdelay $0x1  }
0x23f: {  	v4 =	vor.u32 $0x2, v4;
	_ =	sdelay $0x2  }
0x240: {  	v3 =	vmul.f32 v5, v3;
	_ =	sdelay $0x1  }
0x241: {  	[tilespmem:v4+s24+$0x0] =	vst.idx.msk $0xffff, v3  }
0x242: {  	s26 =	sadd.s32 $0x60, s23;
	v3 =	vld.idx.msk [tilespmem:v2+s18+$0x31060 ss:$0x1], $0xffff  }
0x243: {  	v4 =	vmov s26;
	v5 =	vld.idx.msk [tilespmem:v2+s21+$0x31060 ss:$0x1], $0xffff  }
0x244: {  	v4 =	vshll.u32 v4, $0x3  }
0x245: {  	v4 =	vor.u32 v0, v4;
	_ =	sdelay $0x2  }
0x246: {  	v5 =	vmul.f32 v5, v3;
	_ =	sdelay $0x1  }
0x247: {  	[tilespmem:v4+s24+$0x0] =	vst.idx.msk $0xffff, v5  }
0x248: {  	v5 =	vld.idx.msk [tilespmem:v2+s21+$0x31860 ss:$0x1], $0xffff;
	_ =	sdelay $0x1  }
0x249: {  	v6 =	vor.u32 $0x1, v4;
	_ =	sdelay $0x2  }
0x24a: {  	v5 =	vmul.f32 v5, v3;
	_ =	sdelay $0x1  }
0x24b: {  	[tilespmem:v6+s24+$0x0] =	vst.idx.msk $0xffff, v5  }
0x24c: {  	v5 =	vld.idx.msk [tilespmem:v2+s21+$0x32060 ss:$0x1], $0xffff;
	_ =	sdelay $0x1  }
0x24d: {  	v4 =	vor.u32 $0x2, v4;
	_ =	sdelay $0x2  }
0x24e: {  	v3 =	vmul.f32 v5, v3;
	_ =	sdelay $0x1  }
0x24f: {  	[tilespmem:v4+s24+$0x0] =	vst.idx.msk $0xffff, v3  }
0x250: {  	s28 =	sadd.s32 $0x70, s23;
	v3 =	vld.idx.msk [tilespmem:v2+s18+$0x31070 ss:$0x1], $0xffff  }
0x251: {  	v4 =	vmov s28;
	v5 =	vld.idx.msk [tilespmem:v2+s21+$0x31070 ss:$0x1], $0xffff  }
0x252: {  	v4 =	vshll.u32 v4, $0x3  }
0x253: {  	v4 =	vor.u32 v0, v4;
	_ =	sdelay $0x2  }
0x254: {  	v5 =	vmul.f32 v5, v3;
	_ =	sdelay $0x1  }
0x255: {  	[tilespmem:v4+s24+$0x0] =	vst.idx.msk $0xffff, v5  }
0x256: {  	v5 =	vld.idx.msk [tilespmem:v2+s21+$0x31870 ss:$0x1], $0xffff;
	_ =	sdelay $0x1  }
0x257: {  	v6 =	vor.u32 $0x1, v4;
	_ =	sdelay $0x1  }
0x258: {  	s29 =	rddreg [dreg:$0x12]  }
0x259: {  	s13 =	sadd.s32 $0x1, s29;
	v5 =	vmul.f32 v5, v3  }
0x25a: {  	p1 =	seq.s32 s13, $0x0  }
.Ltmp18:
0x25b: {  	[tilespmem:v6+s24+$0x0] =	vst.idx.msk $0xffff, v5;
	(pc) =	sbr.rel @p1 .LBB2_34-.Ltmp18, $4  }
0x25c: {  	v5 =	vld.idx.msk [tilespmem:v2+s21+$0x32070 ss:$0x1], $0xffff  }
0x25d: {  	s16 =	rddreg [dreg:$0x11];
	s15 =	sadd.s32 $0x80, s21  }
0x25e: {  	s17 =	sadd.s32 $0x80, s23;
	s20 =	smov.u32 s18;
	s22 =	rddreg [dreg:$0x10];
	v4 =	vor.u32 $0x2, v4  }
0x25f: {  	s19 =	smov.u32 s22;
	s26 =	sadd.s32 s25, s16;
	s16 =	sadd.s32 $0x80, s16  }
.LBB2_33:
0x260: {  	s13 =	sadd.s32 $0x1, s13;
	s19 =	sadd.s32 $0x400, s19;
	s20 =	sadd.s32 $0x80, s20  }
0x261: {  	v3 =	vmul.f32 v5, v3;
	p1 =	seq.s32 s13, $0x0;
	_ =	sdelay $0x1  }
0x262: {  	[tilespmem:v4+s24+$0x0] =	vst.idx.msk $0xffff, v3  }
0x263: {  	[spmem:s5] =	stream.indirect.scatter.add.f32 [tilespmem:s22], [sflag:$0x1], $0x8, s26, s11, $0xb8;
	[tilespmem:$0x14480] =	vst v63  }
0x264: {  	s22 =	smov.u32 s19;
	_ =	swait.ge [sflag:s3], $0x400  }
0x265: {  	[sflag:s3] =	ssyncset.done $0x0  }
0x266: {  	[sflag:s3] =	ssyncadd.s32 $0xFFFFFC00  }
0x267: {  	v3 =	vld.idx.msk [tilespmem:v2+s20+$0x31000 ss:$0x1], $0xffff  }
0x268: {  	v4 =	vld.idx.msk [tilespmem:v2+s15+$0x31000 ss:$0x1], $0xffff  }
0x269: {  	v5 =	vmov s17  }
0x26a: {  	v5 =	vshll.u32 v5, $0x3  }
0x26b: {  	v5 =	vor.u32 v0, v5;
	_ =	sdelay $0x2  }
0x26c: {  	v4 =	vmul.f32 v4, v3;
	_ =	sdelay $0x1  }
0x26d: {  	[tilespmem:v5+s24+$0x0] =	vst.idx.msk $0xffff, v4  }
0x26e: {  	v4 =	vld.idx.msk [tilespmem:v2+s15+$0x31800 ss:$0x1], $0xffff;
	_ =	sdelay $0x2  }
0x26f: {  	v6 =	vor.u32 $0x1, v5;
	_ =	sdelay $0x2  }
0x270: {  	v4 =	vmul.f32 v4, v3;
	_ =	sdelay $0x1  }
0x271: {  	[tilespmem:v6+s24+$0x0] =	vst.idx.msk $0xffff, v4  }
0x272: {  	v4 =	vld.idx.msk [tilespmem:v2+s15+$0x32000 ss:$0x1], $0xffff;
	_ =	sdelay $0x2  }
0x273: {  	v5 =	vor.u32 $0x2, v5;
	_ =	sdelay $0x2  }
0x274: {  	v3 =	vmul.f32 v4, v3;
	_ =	sdelay $0x1  }
0x275: {  	[tilespmem:v5+s24+$0x0] =	vst.idx.msk $0xffff, v3  }
0x276: {  	s26 =	sadd.s32 $0x10, s17;
	v3 =	vld.idx.msk [tilespmem:v2+s20+$0x31010 ss:$0x1], $0xffff  }
0x277: {  	v4 =	vmov s26;
	v5 =	vld.idx.msk [tilespmem:v2+s15+$0x31010 ss:$0x1], $0xffff  }
0x278: {  	v4 =	vshll.u32 v4, $0x3  }
0x279: {  	v4 =	vor.u32 v0, v4;
	_ =	sdelay $0x3  }
0x27a: {  	v5 =	vmul.f32 v5, v3;
	_ =	sdelay $0x1  }
0x27b: {  	[tilespmem:v4+s24+$0x0] =	vst.idx.msk $0xffff, v5  }
0x27c: {  	v5 =	vld.idx.msk [tilespmem:v2+s15+$0x31810 ss:$0x1], $0xffff;
	_ =	sdelay $0x1  }
0x27d: {  	v6 =	vor.u32 $0x1, v4;
	_ =	sdelay $0x3  }
0x27e: {  	v5 =	vmul.f32 v5, v3;
	_ =	sdelay $0x1  }
0x27f: {  	[tilespmem:v6+s24+$0x0] =	vst.idx.msk $0xffff, v5  }
0x280: {  	v5 =	vld.idx.msk [tilespmem:v2+s15+$0x32010 ss:$0x1], $0xffff;
	_ =	sdelay $0x1  }
0x281: {  	v4 =	vor.u32 $0x2, v4;
	_ =	sdelay $0x3  }
0x282: {  	v3 =	vmul.f32 v5, v3;
	_ =	sdelay $0x1  }
0x283: {  	s26 =	sadd.s32 $0x20, s17;
	[tilespmem:v4+s24+$0x0] =	vst.idx.msk $0xffff, v3  }
0x284: {  	v4 =	vmov s26;
	v3 =	vld.idx.msk [tilespmem:v2+s20+$0x31020 ss:$0x1], $0xffff  }
0x285: {  	v4 =	vshll.u32 v4, $0x3;
	v5 =	vld.idx.msk [tilespmem:v2+s15+$0x31020 ss:$0x1], $0xffff  }
0x286: {  	v4 =	vor.u32 v0, v4;
	_ =	sdelay $0x4  }
0x287: {  	v5 =	vmul.f32 v5, v3;
	_ =	sdelay $0x1  }
0x288: {  	[tilespmem:v4+s24+$0x0] =	vst.idx.msk $0xffff, v5  }
0x289: {  	v5 =	vld.idx.msk [tilespmem:v2+s15+$0x31820 ss:$0x1], $0xffff  }
0x28a: {  	v6 =	vor.u32 $0x1, v4;
	_ =	sdelay $0x4  }
0x28b: {  	v5 =	vmul.f32 v5, v3;
	_ =	sdelay $0x1  }
0x28c: {  	[tilespmem:v6+s24+$0x0] =	vst.idx.msk $0xffff, v5  }
0x28d: {  	v5 =	vld.idx.msk [tilespmem:v2+s15+$0x32020 ss:$0x1], $0xffff  }
0x28e: {  	v4 =	vor.u32 $0x2, v4;
	_ =	sdelay $0x4  }
0x28f: {  	v3 =	vmul.f32 v5, v3  }
0x290: {  	s26 =	sadd.s32 $0x30, s17  }
0x291: {  	[tilespmem:v4+s24+$0x0] =	vst.idx.msk $0xffff, v3;
	v3 =	vmov s26  }
0x292: {  	v4 =	vld.idx.msk [tilespmem:v2+s20+$0x31030 ss:$0x1], $0xffff;
	v3 =	vshll.u32 v3, $0x3  }
0x293: {  	v5 =	vld.idx.msk [tilespmem:v2+s15+$0x31030 ss:$0x1], $0xffff;
	v3 =	vor.u32 v0, v3;
	_ =	sdelay $0x5  }
0x294: {  	v5 =	vmul.f32 v5, v4;
	_ =	sdelay $0x1  }
0x295: {  	[tilespmem:v3+s24+$0x0] =	vst.idx.msk $0xffff, v5  }
0x296: {  	v6 =	vor.u32 $0x1, v3;
	v5 =	vld.idx.msk [tilespmem:v2+s15+$0x31830 ss:$0x1], $0xffff;
	_ =	sdelay $0x5  }
0x297: {  	v5 =	vmul.f32 v5, v4;
	_ =	sdelay $0x1  }
0x298: {  	[tilespmem:v6+s24+$0x0] =	vst.idx.msk $0xffff, v5  }
0x299: {  	v3 =	vor.u32 $0x2, v3;
	v5 =	vld.idx.msk [tilespmem:v2+s15+$0x32030 ss:$0x1], $0xffff;
	_ =	sdelay $0x5  }
0x29a: {  	s26 =	sadd.s32 $0x40, s17;
	v4 =	vmul.f32 v5, v4  }
0x29b: {  	v5 =	vmov s26  }
0x29c: {  	[tilespmem:v3+s24+$0x0] =	vst.idx.msk $0xffff, v4;
	v3 =	vshll.u32 v5, $0x3  }
0x29d: {  	v4 =	vld.idx.msk [tilespmem:v2+s20+$0x31040 ss:$0x1], $0xffff;
	v3 =	vor.u32 v0, v3  }
0x29e: {  	v5 =	vld.idx.msk [tilespmem:v2+s15+$0x31040 ss:$0x1], $0xffff;
	_ =	sdelay $0x5  }
0x29f: {  	v5 =	vmul.f32 v5, v4;
	_ =	sdelay $0x1  }
0x2a0: {  	[tilespmem:v3+s24+$0x0] =	vst.idx.msk $0xffff, v5;
	v5 =	vor.u32 $0x1, v3  }
0x2a1: {  	v6 =	vld.idx.msk [tilespmem:v2+s15+$0x31840 ss:$0x1], $0xffff;
	_ =	sdelay $0x5  }
0x2a2: {  	v6 =	vmul.f32 v6, v4;
	_ =	sdelay $0x1  }
0x2a3: {  	v3 =	vor.u32 $0x2, v3;
	[tilespmem:v5+s24+$0x0] =	vst.idx.msk $0xffff, v6  }
0x2a4: {  	v5 =	vld.idx.msk [tilespmem:v2+s15+$0x32040 ss:$0x1], $0xffff;
	_ =	sdelay $0x4  }
0x2a5: {  	s26 =	sadd.s32 $0x50, s17  }
0x2a6: {  	v4 =	vmul.f32 v5, v4;
	v5 =	vmov s26  }
0x2a7: {  	v5 =	vshll.u32 v5, $0x3  }
0x2a8: {  	[tilespmem:v3+s24+$0x0] =	vst.idx.msk $0xffff, v4;
	v3 =	vor.u32 v0, v5  }
0x2a9: {  	v4 =	vld.idx.msk [tilespmem:v2+s20+$0x31050 ss:$0x1], $0xffff  }
0x2aa: {  	v5 =	vld.idx.msk [tilespmem:v2+s15+$0x31050 ss:$0x1], $0xffff;
	_ =	sdelay $0x5  }
0x2ab: {  	v5 =	vmul.f32 v5, v4  }
0x2ac: {  	v6 =	vor.u32 $0x1, v3  }
0x2ad: {  	[tilespmem:v3+s24+$0x0] =	vst.idx.msk $0xffff, v5  }
0x2ae: {  	v5 =	vld.idx.msk [tilespmem:v2+s15+$0x31850 ss:$0x1], $0xffff;
	_ =	sdelay $0x5  }
0x2af: {  	v5 =	vmul.f32 v5, v4  }
0x2b0: {  	v3 =	vor.u32 $0x2, v3  }
0x2b1: {  	[tilespmem:v6+s24+$0x0] =	vst.idx.msk $0xffff, v5  }
0x2b2: {  	v5 =	vld.idx.msk [tilespmem:v2+s15+$0x32050 ss:$0x1], $0xffff;
	_ =	sdelay $0x3  }
0x2b3: {  	s26 =	sadd.s32 $0x60, s17  }
0x2b4: {  	v6 =	vmov s26  }
0x2b5: {  	v4 =	vmul.f32 v5, v4;
	v5 =	vshll.u32 v6, $0x3  }
0x2b6: {  	v5 =	vor.u32 v0, v5  }
0x2b7: {  	[tilespmem:v3+s24+$0x0] =	vst.idx.msk $0xffff, v4  }
0x2b8: {  	v3 =	vld.idx.msk [tilespmem:v2+s20+$0x31060 ss:$0x1], $0xffff  }
0x2b9: {  	v4 =	vld.idx.msk [tilespmem:v2+s15+$0x31060 ss:$0x1], $0xffff;
	_ =	sdelay $0x5  }
0x2ba: {  	v6 =	vor.u32 $0x1, v5;
	v4 =	vmul.f32 v4, v3;
	_ =	sdelay $0x1  }
0x2bb: {  	[tilespmem:v5+s24+$0x0] =	vst.idx.msk $0xffff, v4  }
0x2bc: {  	v4 =	vld.idx.msk [tilespmem:v2+s15+$0x31860 ss:$0x1], $0xffff;
	_ =	sdelay $0x5  }
0x2bd: {  	v5 =	vor.u32 $0x2, v5;
	v4 =	vmul.f32 v4, v3;
	_ =	sdelay $0x1  }
0x2be: {  	[tilespmem:v6+s24+$0x0] =	vst.idx.msk $0xffff, v4  }
0x2bf: {  	v4 =	vld.idx.msk [tilespmem:v2+s15+$0x32060 ss:$0x1], $0xffff;
	_ =	sdelay $0x2  }
0x2c0: {  	s26 =	sadd.s32 $0x70, s17  }
0x2c1: {  	v6 =	vmov s26  }
0x2c2: {  	v6 =	vshll.u32 v6, $0x3  }
0x2c3: {  	v3 =	vmul.f32 v4, v3;
	v4 =	vor.u32 v0, v6;
	_ =	sdelay $0x1  }
0x2c4: {  	[tilespmem:v5+s24+$0x0] =	vst.idx.msk $0xffff, v3  }
0x2c5: {  	v3 =	vld.idx.msk [tilespmem:v2+s20+$0x31070 ss:$0x1], $0xffff  }
0x2c6: {  	v5 =	vld.idx.msk [tilespmem:v2+s15+$0x31070 ss:$0x1], $0xffff;
	_ =	sdelay $0x4  }
0x2c7: {  	v6 =	vor.u32 $0x1, v4  }
0x2c8: {  	v5 =	vmul.f32 v5, v3;
	_ =	sdelay $0x1  }
0x2c9: {  	[tilespmem:v4+s24+$0x0] =	vst.idx.msk $0xffff, v5  }
0x2ca: {  	v5 =	vld.idx.msk [tilespmem:v2+s15+$0x31870 ss:$0x1], $0xffff;
	_ =	sdelay $0x4  }
0x2cb: {  	v4 =	vor.u32 $0x2, v4  }
0x2cc: {  	v5 =	vmul.f32 v5, v3;
	_ =	sdelay $0x1  }
0x2cd: {  	[tilespmem:v6+s24+$0x0] =	vst.idx.msk $0xffff, v5  }
.Ltmp19:
0x2ce: {  	v5 =	vld.idx.msk [tilespmem:v2+s15+$0x32070 ss:$0x1], $0xffff;
	(pc) =	sbr.rel @!p1 .LBB2_33-.Ltmp19, $2  }
0x2cf: {  	s26 =	sadd.s32 s25, s16;
	_ =	sdelay $0x2  }
0x2d0: {  	s17 =	sadd.s32 $0x80, s17;
	s16 =	sadd.s32 $0x80, s16;
	s15 =	sadd.s32 $0x80, s15  }
.Ltmp20:
0x2d1: {  	_ = 	snop;
	(pc) =	sbr.rel .LBB2_34-.Ltmp20, $1  }
0x2d2: {  	_ =	sdelay $0x3  }
.LBB2_36:
0x2d3: {  	_ =	sfence.sel $0x180000  }
0x2d4: {  	[bflag:$0x0] =	sbarrier.arrive $0xFFFF  }
0x2d5: {  	_ =	strace $0x90000047  }
0x2d6: {  	s0 =	stileid.u32;
	[bflag:$0x2] =	sbarrier.arrive $0xFFFF  }
0x2d7: {  	p0 =	sne.s32 s0, $0x0;
	s0 =	rddreg [dreg:$0x5]  }
0x2d8: {  	s0 =	sadd.s32 @!p0 $0x100000, s0  }
0x2d9: {  	[sflag:s0] =	ssyncadd.tile.s32 @!p0 $0x1;
	_ =	shalt  }
.Lfunc_end2:
_tile_overlayer_lowered:
.L_overlay_start_2:
0x2da: {  	(tag) =	ssettag $0x2  }
0x2db: {  	s0 =	rddreg [dreg:$0x0];
	s2 =	stileid.u32  }
0x2dc: {  	s1 =	rddreg [dreg:$0x1];
	p0 =	sne.s32 s2, $0x0  }
0x2dd: {  	s3 =	rddreg [dreg:$0x2];
	[bflag:$0x3] =	sbarrier.arrive $0xFFFF;
	s2 =	simm.s32 @!p0 $0x1C01  }
0x2de: {  	[timem:s3], [sflag:s2] =	dma.local @!p0 [hbm:s0], s1  }
0x2df: {  	s0 =	simm.s32 @!p0 $0x1  }
0x2e0: {  	_ =	swait.ge @!p0 [sflag:s0], s1  }
0x2e1: {  	s1 =	ssub.s32 @!p0 $0x0, s1;
	[sflag:s0] =	ssyncset.done @!p0 $0x0  }
0x2e2: {  	[sflag:s0] =	ssyncadd.s32 @!p0 s1  }
0x2e3: {  	[bflag:$0x3] =	sbarrier.arrive $0xFFFF  }
0x2e4: {  	_ =	shalt  }

</sc_bundles>
